<compile_context>
chip_gen: v7x
topology: tpu7x:2x2x1
jax: 0.10.2.dev20260603
libtpu: 0.0.44.dev20260713+nightly
codegen_flags: <defaults>
</compile_context>

<pallas_src>
import functools

import jax
import jax.numpy as jnp
from jax import lax
from jax.experimental import pallas as pl
from jax.experimental.pallas import tpu as pltpu
from jax.experimental.pallas import tpu_sc as plsc

NUM_GROUPS = 8
SIGMA = 2.0
EPS = 1e-5
NEG = 0.1

N = 10000
K = 32
CIN = 128
CM = 64
COUT = 256
P = 15

PP = 16
R1 = 1000
MT = 200
NH = 2
EH = N * K // NH
CH = 40
PERW = EH // 32
NCH = PERW // CH


def _leaky(v):
    return jnp.where(v >= 0, v, NEG * v)


def _k1_body(x_ref, ph_ref, w1_ref, b1_ref, ws_ref, bs_ref,
             tab_ref, ys_ref, st1_ref, sts_ref):
    i = pl.program_id(0)
    x = x_ref[...]
    y1 = jnp.dot(x, w1_ref[...], preferred_element_type=jnp.float32) + b1_ref[...]
    ys = jnp.dot(x, ws_ref[...], preferred_element_type=jnp.float32) + bs_ref[...]
    tab_ref[...] = jnp.concatenate(
        [y1, ph_ref[...], jnp.zeros((y1.shape[0], CIN - CM - 3), jnp.float32)],
        axis=1)
    ys_ref[...] = ys

    @pl.when(i == 0)
    def _():
        st1_ref[...] = jnp.zeros_like(st1_ref)
        sts_ref[...] = jnp.zeros_like(sts_ref)

    st1_ref[0:1, :] += jnp.sum(y1, 0, keepdims=True)
    st1_ref[1:2, :] += jnp.sum(y1 * y1, 0, keepdims=True)
    sts_ref[0:1, :] += jnp.sum(ys, 0, keepdims=True)
    sts_ref[1:2, :] += jnp.sum(ys * ys, 0, keepdims=True)


def _k1_call(s_feats, s_points, W1, b1, Ws, bs):
    grid = (N // R1,)
    return pl.pallas_call(
        _k1_body,
        grid=grid,
        in_specs=[
            pl.BlockSpec((R1, CIN), lambda i: (i, 0)),
            pl.BlockSpec((R1, 3), lambda i: (i, 0)),
            pl.BlockSpec((CIN, CM), lambda i: (0, 0)),
            pl.BlockSpec((1, CM), lambda i: (0, 0)),
            pl.BlockSpec((CIN, COUT), lambda i: (0, 0)),
            pl.BlockSpec((1, COUT), lambda i: (0, 0)),
        ],
        out_specs=[
            pl.BlockSpec((R1, CIN), lambda i: (i, 0)),
            pl.BlockSpec((R1, COUT), lambda i: (i, 0)),
            pl.BlockSpec((8, CM), lambda i: (0, 0)),
            pl.BlockSpec((8, COUT), lambda i: (0, 0)),
        ],
        out_shape=[
            jax.ShapeDtypeStruct((N, CIN), jnp.float32),
            jax.ShapeDtypeStruct((N, COUT), jnp.float32),
            jax.ShapeDtypeStruct((8, CM), jnp.float32),
            jax.ShapeDtypeStruct((8, COUT), jnp.float32),
        ],
    )(s_feats, s_points, W1, b1.reshape(1, CM), Ws, bs.reshape(1, COUT))


def _sc_gather(table, idx3):
    info = plsc.get_sparse_core_info()
    nc = info.num_cores
    mesh = plsc.VectorSubcoreMesh(core_axis_name="c", subcore_axis_name="s")

    @functools.partial(
        pl.kernel,
        mesh=mesh,
        out_type=jax.ShapeDtypeStruct((EH, CIN), jnp.float32),
        scratch_types=[
            pltpu.VMEM((NCH, CH), jnp.int32),
            pltpu.VMEM((CH, CIN), jnp.float32),
            pltpu.VMEM((CH, CIN), jnp.float32),
            pltpu.SemaphoreType.DMA,
            pltpu.SemaphoreType.DMA,
        ],
    )
    def gat(tab_hbm, idx_hbm, g_hbm, idx_v, r0_v, r1_v, s0, s1):
        wid = lax.axis_index("s") * nc + lax.axis_index("c")
        base = wid * PERW
        pltpu.sync_copy(idx_hbm.at[wid], idx_v)
        pltpu.async_copy(tab_hbm.at[idx_v.at[0]], r0_v, s0)

        def body(i, carry):
            j0 = 2 * i
            pltpu.async_copy(tab_hbm.at[idx_v.at[j0 + 1]], r1_v, s1)
            pltpu.make_async_copy(tab_hbm.at[idx_v.at[j0]], r0_v, s0).wait()
            pltpu.sync_copy(r0_v, g_hbm.at[pl.ds(base + j0 * CH, CH)])
            pltpu.async_copy(tab_hbm.at[idx_v.at[j0 + 2]], r0_v, s0)
            pltpu.make_async_copy(tab_hbm.at[idx_v.at[j0 + 1]], r1_v, s1).wait()
            pltpu.sync_copy(r1_v, g_hbm.at[pl.ds(base + (j0 + 1) * CH, CH)])
            return carry

        lax.fori_loop(0, (NCH - 1) // 2, body, 0)
        pltpu.make_async_copy(tab_hbm.at[idx_v.at[NCH - 1]], r0_v, s0).wait()
        pltpu.sync_copy(r0_v, g_hbm.at[pl.ds(base + (NCH - 1) * CH, CH)])

    return gat(table, idx3)


def _k3_body(g_ref, q_ref, kp_ref, wk_ref, bk_ref, sc1_ref, sh1_ref,
             o2_ref, st2_ref):
    i = pl.program_id(0)
    gall = g_ref[...]
    xg = _leaky(gall[:, :CM] * sc1_ref[...] + sh1_ref[...])
    xgh = xg.astype(jnp.bfloat16)

    rsum = jnp.sum(xg, axis=1, keepdims=True)
    valid = (rsum != 0).astype(jnp.float32)
    cnt = jnp.sum(valid.reshape(MT, K, 1), axis=1)
    inv = 1.0 / jnp.maximum(cnt, 1.0)

    q = q_ref[...]
    qe = jnp.broadcast_to(q[:, None, :], (MT, K, 3)).reshape(MT * K, 3)
    n = gall[:, CM:CM + 3] - qe

    kp = kp_ref[...]
    dx = n[:, 0:1] - kp[0:1, :]
    dy = n[:, 1:2] - kp[1:2, :]
    dz = n[:, 2:3] - kp[2:3, :]
    d2 = dx * dx + dy * dy + dz * dz
    w = jnp.maximum(1.0 - jnp.sqrt(d2) / SIGMA, 0.0)

    xg2 = jnp.concatenate([xgh, xgh], axis=1)
    wh = w.astype(jnp.bfloat16)
    parts = []
    for p in range(0, PP, 2):
        wpair = jnp.concatenate(
            [jnp.broadcast_to(wh[:, p:p + 1], (MT * K, CM)),
             jnp.broadcast_to(wh[:, p + 1:p + 2], (MT * K, CM))], axis=1)
        prod = wpair * xg2
        parts.append(
            jnp.sum(prod.reshape(MT, K, 2 * CM), axis=1).astype(jnp.float32))
    wf = jnp.concatenate(parts, axis=-1)

    out = jnp.dot(wf, wk_ref[...], preferred_element_type=jnp.float32)
    out = out * inv + bk_ref[...]
    o2_ref[...] = out

    @pl.when(i == 0)
    def _():
        st2_ref[...] = jnp.zeros_like(st2_ref)

    st2_ref[0:1, :] += jnp.sum(out, 0, keepdims=True)
    st2_ref[1:2, :] += jnp.sum(out * out, 0, keepdims=True)


def _k3_call(g, q_points, kpT, Wkf, bk, scale1, shift1):
    nm = q_points.shape[0]
    grid = (nm // MT,)
    return pl.pallas_call(
        _k3_body,
        grid=grid,
        in_specs=[
            pl.BlockSpec((MT * K, CIN), lambda i: (i, 0)),
            pl.BlockSpec((MT, 3), lambda i: (i, 0)),
            pl.BlockSpec((3, PP), lambda i: (0, 0)),
            pl.BlockSpec((PP * CM, CM), lambda i: (0, 0)),
            pl.BlockSpec((1, CM), lambda i: (0, 0)),
            pl.BlockSpec((1, CM), lambda i: (0, 0)),
            pl.BlockSpec((1, CM), lambda i: (0, 0)),
        ],
        out_specs=[
            pl.BlockSpec((MT, CM), lambda i: (i, 0)),
            pl.BlockSpec((8, CM), lambda i: (0, 0)),
        ],
        out_shape=[
            jax.ShapeDtypeStruct((nm, CM), jnp.float32),
            jax.ShapeDtypeStruct((8, CM), jnp.float32),
        ],
    )(g, q_points, kpT, Wkf,
      bk.reshape(1, CM), scale1, shift1)


def _k4a_body(o2_ref, sc2_ref, sh2_ref, w2_ref, b2_ref, y2_ref, sty_ref):
    i = pl.program_id(0)
    x2 = _leaky(o2_ref[...] * sc2_ref[...] + sh2_ref[...])
    y2 = jnp.dot(x2, w2_ref[...], preferred_element_type=jnp.float32) + b2_ref[...]
    y2_ref[...] = y2

    @pl.when(i == 0)
    def _():
        sty_ref[...] = jnp.zeros_like(sty_ref)

    sty_ref[0:1, :] += jnp.sum(y2, 0, keepdims=True)
    sty_ref[1:2, :] += jnp.sum(y2 * y2, 0, keepdims=True)


def _k4a_call(out2, scale2, shift2, W2, b2):
    grid = (N // R1,)
    return pl.pallas_call(
        _k4a_body,
        grid=grid,
        in_specs=[
            pl.BlockSpec((R1, CM), lambda i: (i, 0)),
            pl.BlockSpec((1, CM), lambda i: (0, 0)),
            pl.BlockSpec((1, CM), lambda i: (0, 0)),
            pl.BlockSpec((CM, COUT), lambda i: (0, 0)),
            pl.BlockSpec((1, COUT), lambda i: (0, 0)),
        ],
        out_specs=[
            pl.BlockSpec((R1, COUT), lambda i: (i, 0)),
            pl.BlockSpec((8, COUT), lambda i: (0, 0)),
        ],
        out_shape=[
            jax.ShapeDtypeStruct((N, COUT), jnp.float32),
            jax.ShapeDtypeStruct((8, COUT), jnp.float32),
        ],
    )(out2, scale2, shift2, W2, b2.reshape(1, COUT))


def _k4b_body(y2_ref, ys_ref, ay_ref, by_ref, as_ref, bs_ref, out_ref):
    z = (y2_ref[...] * ay_ref[...] + by_ref[...]
         + ys_ref[...] * as_ref[...] + bs_ref[...])
    out_ref[...] = _leaky(z)


def _k4b_call(y2, ys, ay, by, a_s, b_s):
    grid = (N // R1,)
    vec = pl.BlockSpec((1, COUT), lambda i: (0, 0))
    return pl.pallas_call(
        _k4b_body,
        grid=grid,
        in_specs=[
            pl.BlockSpec((R1, COUT), lambda i: (i, 0)),
            pl.BlockSpec((R1, COUT), lambda i: (i, 0)),
            vec, vec, vec, vec,
        ],
        out_specs=pl.BlockSpec((R1, COUT), lambda i: (i, 0)),
        out_shape=jax.ShapeDtypeStruct((N, COUT), jnp.float32),
    )(y2, ys, ay, by, a_s, b_s)


def _gaffine(stats, gamma, beta):
    c = gamma.shape[0]
    cg = c // NUM_GROUPS
    cnt = cg * N
    gsum = stats[0].reshape(NUM_GROUPS, cg).sum(axis=1)
    gsq = stats[1].reshape(NUM_GROUPS, cg).sum(axis=1)
    mean = gsum / cnt
    var = gsq / cnt - mean * mean
    rstd = 1.0 / jnp.sqrt(var + EPS)
    mean_c = jnp.repeat(mean, cg)
    rstd_c = jnp.repeat(rstd, cg)
    scale = gamma * rstd_c
    shift = beta - gamma * mean_c * rstd_c
    return scale.reshape(1, c), shift.reshape(1, c)


def kernel(s_feats, q_points, s_points, neighbor_indices, W1, b1, g1, be1,
           kernel_points, Wk, bk, gc, bec, W2, b2, g2, be2, Ws, bs, gs, bes):
    table, ys, st1, sts = _k1_call(s_feats, s_points, W1, b1, Ws, bs)
    scale1, shift1 = _gaffine(st1, g1, be1)
    scale_s, shift_s = _gaffine(sts, gs, bes)

    kpT = jnp.concatenate(
        [kernel_points, jnp.zeros((PP - P, 3), jnp.float32)], axis=0).T
    Wkf = jnp.concatenate(
        [Wk, jnp.zeros((PP - P, CM, CM), jnp.float32)], axis=0).reshape(PP * CM, CM)

    idx4 = neighbor_indices.reshape(NH, 32, NCH, CH)
    qs = q_points.reshape(NH, N // NH, 3)
    outs, sts2 = [], []
    for h in range(NH):
        gh = _sc_gather(table, idx4[h])
        oh, sh = _k3_call(gh, qs[h], kpT, Wkf, bk, scale1, shift1)
        outs.append(oh)
        sts2.append(sh)
    out2 = jnp.concatenate(outs, axis=0)
    st2 = sts2[0] + sts2[1]
    scale2, shift2 = _gaffine(st2, gc, bec)

    y2, sty = _k4a_call(out2, scale2, shift2, W2, b2)
    scale_y, shift_y = _gaffine(sty, g2, be2)

    return _k4b_call(y2, ys, scale_y, shift_y, scale_s, shift_s)

# --- scband reference (transcript-rebuilt; emitter-appended) ---
"""Pipeline reference for scband-residual-block-88167088652502 (READ-ONLY COPY).

The authoritative reference and input builder live on the scoring server;
editing this copy changes nothing except your own understanding.
"""

import jax, jax.numpy as jnp
import numpy as np

NUM_GROUPS = 8
SIGMA = 2.0
RADIUS = 2.0
EPS = 1e-5
NEG = 0.1


def group_norm(x, gamma, beta, num_groups=NUM_GROUPS, eps=EPS):
    # Matches torch wrapper: GroupNorm applied to x.T.unsqueeze(0), i.e. stats
    # are computed per group over (channels_in_group * N) elements.
    N, C = x.shape
    xt = jnp.transpose(x).reshape(num_groups, (C // num_groups) * N)
    mean = jnp.mean(xt, axis=1, keepdims=True)
    var = jnp.var(xt, axis=1, keepdims=True)
    xt = (xt - mean) / jnp.sqrt(var + eps)
    xn = jnp.transpose(xt.reshape(C, N))
    return xn * gamma + beta


def leaky_relu(x):
    return jnp.where(x >= 0, x, NEG * x)


def kpconv(s_feats, q_points, s_points, neighbor_indices, kernel_points, Wk, bk):
    # KPConv (GeoTransformer-style): gather neighbors, linear correlation
    # weights w.r.t. kernel points, per-kernel-point aggregation + matmul.
    padded_points = jnp.concatenate([s_points, jnp.full((1, 3), 1e6, s_points.dtype)], axis=0)
    neighbors = padded_points[neighbor_indices] - q_points[:, None, :]              # (M, K, 3)
    diff = neighbors[:, :, None, :] - kernel_points[None, None, :, :]               # (M, K, P, 3)
    sq_dist = jnp.sum(diff * diff, axis=-1)                                         # (M, K, P)
    nbr_w = jnp.maximum(1.0 - jnp.sqrt(sq_dist) / SIGMA, 0.0)                       # (M, K, P)
    nbr_w = jnp.transpose(nbr_w, (0, 2, 1))                                         # (M, P, K)
    padded_feats = jnp.concatenate([s_feats, jnp.zeros((1, s_feats.shape[1]), s_feats.dtype)], axis=0)
    nbr_f = padded_feats[neighbor_indices]                                          # (M, K, C)
    weighted = jnp.matmul(nbr_w, nbr_f)                                             # (M, P, C)
    out = jnp.einsum('mpc,pcd->md', weighted, Wk)                                   # (M, Cout)
    nbr_num = jnp.maximum(jnp.sum(jnp.sum(nbr_f, axis=-1) != 0, axis=-1), 1)
    out = out / nbr_num[:, None].astype(out.dtype)
    return out + bk


def setup_inputs(seed: int = 0):
    key = jax.random.key(seed)
    ks = jax.random.split(key, 24)
    N, K, CIN, COUT, P = 10000, 32, 128, 256, 15
    CM = COUT // 4
    inp = {}
    inp['s_feats'] = jax.random.normal(ks[0], (N, CIN), jnp.float32)
    inp['q_points'] = jax.random.normal(ks[1], (N, 3), jnp.float32)
    inp['s_points'] = jax.random.normal(ks[2], (N, 3), jnp.float32)
    inp['neighbor_indices'] = jax.random.randint(ks[3], (N, K), 0, N, jnp.int32)
    # unary1: Linear(128 -> 64) + GroupNorm(8, 64)
    inp['W1'] = jax.random.normal(ks[4], (CIN, CM), jnp.float32) / np.sqrt(CIN)
    inp['b1'] = jax.random.normal(ks[5], (CM,), jnp.float32) * 0.01
    inp['g1'] = jnp.ones((CM,), jnp.float32)
    inp['be1'] = jnp.zeros((CM,), jnp.float32)
    # KPConv(64 -> 64, 15 kernel points) + GroupNorm(8, 64)
    inp['kernel_points'] = jax.random.uniform(ks[6], (P, 3), jnp.float32, -RADIUS, RADIUS)
    inp['Wk'] = jax.random.normal(ks[7], (P, CM, CM), jnp.float32) / np.sqrt(P * CM)
    inp['bk'] = jax.random.normal(ks[8], (CM,), jnp.float32) * 0.01
    inp['gc'] = jnp.ones((CM,), jnp.float32)
    inp['bec'] = jnp.zeros((CM,), jnp.float32)
    # unary2: Linear(64 -> 256) + GroupNorm(8, 256), no relu
    inp['W2'] = jax.random.normal(ks[9], (CM, COUT), jnp.float32) / np.sqrt(CM)
    inp['b2'] = jax.random.normal(ks[10], (COUT,), jnp.float32) * 0.01
    inp['g2'] = jnp.ones((COUT,), jnp.float32)
    inp['be2'] = jnp.zeros((COUT,), jnp.float32)
    # unary_shortcut: Linear(128 -> 256) + GroupNorm(8, 256), no relu
    inp['Ws'] = jax.random.normal(ks[11], (CIN, COUT), jnp.float32) / np.sqrt(CIN)
    inp['bs'] = jax.random.normal(ks[12], (COUT,), jnp.float32) * 0.01
    inp['gs'] = jnp.ones((COUT,), jnp.float32)
    inp['bes'] = jnp.zeros((COUT,), jnp.float32)
    return inp


def reference(s_feats, q_points, s_points, neighbor_indices, W1, b1, g1, be1,
              kernel_points, Wk, bk, gc, bec, W2, b2, g2, be2, Ws, bs, gs, bes):
    # unary1
    x = leaky_relu(group_norm(s_feats @ W1 + b1, g1, be1))
    # ConvBlock: KPConv + GroupNorm + LeakyReLU
    x = kpconv(x, q_points, s_points, neighbor_indices, kernel_points, Wk, bk)
    x = leaky_relu(group_norm(x, gc, bec))
    # unary2 (no relu)
    x = group_norm(x @ W2 + b2, g2, be2)
    # shortcut (strided=False -> identity path through unary_shortcut)
    shortcut = group_norm(s_feats @ Ws + bs, gs, bes)
    return leaky_relu(x + shortcut)

if __name__ == "__main__":
    import jax
    _d = setup_inputs()
    print(jax.jit(kernel)(*tuple(_d.values())))

</pallas_src>

<mosaic_0001>
#map = affine_map<(d0, d1) -> (0, 0)>
#map1 = affine_map<(d0, d1) -> (0, 0, 0)>
module attributes {stable_mosaic.version = 14 : i64} {
  func.func @gat(%arg0: i32, %arg1: i32, %arg2: memref<10000x128xf32, #tpu.memory_space<hbm>>, %arg3: memref<32x125x40xi32, #tpu.memory_space<hbm>>, %arg4: memref<160000x128xf32, #tpu.memory_space<hbm>>, %arg5: memref<125x40xi32, #tpu.memory_space<vmem>>, %arg6: memref<40x128xf32, #tpu.memory_space<vmem>>, %arg7: memref<40x128xf32, #tpu.memory_space<vmem>>, %arg8: memref<!tpu.dma_semaphore, #tpu.memory_space<semaphore_mem>>, %arg9: memref<!tpu.dma_semaphore, #tpu.memory_space<semaphore_mem>>) attributes {dimension_semantics = [#tpu.dimension_semantics<core_parallel>, #tpu.dimension_semantics<subcore_parallel>], iteration_bounds = array<i64: 2, 16>, scalar_prefetch = 0 : i64, scratch_operands = 5 : i64, tpu.core_type = #tpu.core_type<sc_vector_subcore>, window_params = [{transform_indices = #map}, {transform_indices = #map1}, {transform_indices = #map}]} {
    %mul3A = arith.constant 2 : i32
    %mul3A_0 = arith.muli %arg1, %mul3A : i32
    %add3A = arith.addi %mul3A_0, %arg0 : i32
    %mul3A_1 = arith.constant 5000 : i32
    %mul3A_2 = arith.muli %add3A, %mul3A_1 : i32
    "tpu.region"() ({
      %run_scoped3A = tpu.sem_alloc : memref<!tpu.dma_semaphore, #tpu.memory_space<semaphore_mem>>
      %dma_start3A_22 = arith.constant 0 : i32
      %dma_start3A_23 = arith.constant 0 : i32
      %dma_start3A_24 = tpu.memref_slice %arg3[%add3A, %dma_start3A_22, %dma_start3A_23] : memref<32x125x40xi32, #tpu.memory_space<hbm>> -> memref<1x125x40xi32, #tpu.memory_space<hbm>>
      %dma_start3A_25 = tpu.memref_squeeze %dma_start3A_24 : memref<1x125x40xi32, #tpu.memory_space<hbm>> -> memref<125x40xi32, #tpu.memory_space<hbm>>
      %dma_start3A_26 = arith.constant 0 : i32
      %dma_start3A_27 = arith.constant 0 : i32
      %dma_start3A_28 = tpu.memref_slice %arg3[%add3A, %dma_start3A_26, %dma_start3A_27] : memref<32x125x40xi32, #tpu.memory_space<hbm>> -> memref<1x125x40xi32, #tpu.memory_space<hbm>>
      %dma_start3A_29 = tpu.memref_squeeze %dma_start3A_28 : memref<1x125x40xi32, #tpu.memory_space<hbm>> -> memref<125x40xi32, #tpu.memory_space<hbm>>
      tpu.enqueue_dma source(%dma_start3A_29 : memref<125x40xi32, #tpu.memory_space<hbm>>) target(%arg5 : memref<125x40xi32, #tpu.memory_space<vmem>>) target_semaphore(%run_scoped3A : memref<!tpu.dma_semaphore, #tpu.memory_space<semaphore_mem>>)
      %dma_wait3A_30 = arith.constant 0 : i32
      %dma_wait3A_31 = arith.constant 0 : i32
      %dma_wait3A_32 = tpu.memref_slice %arg3[%add3A, %dma_wait3A_30, %dma_wait3A_31] : memref<32x125x40xi32, #tpu.memory_space<hbm>> -> memref<1x125x40xi32, #tpu.memory_space<hbm>>
      %dma_wait3A_33 = tpu.memref_squeeze %dma_wait3A_32 : memref<1x125x40xi32, #tpu.memory_space<hbm>> -> memref<125x40xi32, #tpu.memory_space<hbm>>
      %dma_wait3A_34 = arith.constant 0 : i32
      %dma_wait3A_35 = arith.constant 0 : i32
      %dma_wait3A_36 = tpu.memref_slice %arg3[%add3A, %dma_wait3A_34, %dma_wait3A_35] : memref<32x125x40xi32, #tpu.memory_space<hbm>> -> memref<1x125x40xi32, #tpu.memory_space<hbm>>
      %dma_wait3A_37 = tpu.memref_squeeze %dma_wait3A_36 : memref<1x125x40xi32, #tpu.memory_space<hbm>> -> memref<125x40xi32, #tpu.memory_space<hbm>>
      tpu.wait_dma2 semaphore(%run_scoped3A : memref<!tpu.dma_semaphore, #tpu.memory_space<semaphore_mem>>) src(%dma_wait3A_37 : memref<125x40xi32, #tpu.memory_space<hbm>>) dst(%arg5 : memref<125x40xi32, #tpu.memory_space<vmem>>)
      tpu.yield
    }) : () -> ()
    %dma_start3A = arith.constant 0 : i32
    %dma_start3A_3 = arith.constant 0 : i32
    %dma_start3A_4 = tpu.memref_slice %arg5[%dma_start3A, %dma_start3A_3] : memref<125x40xi32, #tpu.memory_space<vmem>> -> memref<1x40xi32, #tpu.memory_space<vmem>>
    %dma_start3A_5 = tpu.memref_squeeze %dma_start3A_4 : memref<1x40xi32, #tpu.memory_space<vmem>> -> memref<40xi32, #tpu.memory_space<vmem>>
    %dma_start3A_6 = arith.constant 0 : i32
    %dma_start3A_7 = arith.constant 0 : i32
    %dma_start3A_8 = tpu.memref_slice %arg2[%dma_start3A_6, %dma_start3A_7] : memref<10000x128xf32, #tpu.memory_space<hbm>> -> memref<10000x128xf32, #tpu.memory_space<hbm>>
    tpu.enqueue_indirect_dma source(%dma_start3A_8 : memref<10000x128xf32, #tpu.memory_space<hbm>>) target(%arg6 : memref<40x128xf32, #tpu.memory_space<vmem>>) offsets(%dma_start3A_5 : memref<40xi32, #tpu.memory_space<vmem>>) semaphore(%arg8 : memref<!tpu.dma_semaphore, #tpu.memory_space<semaphore_mem>>)
    %scan3A = arith.constant 0 : i32
    %scan3A_9 = arith.constant 0 : i32
    %scan3A_10 = arith.constant 62 : i32
    %scan3A_11 = arith.addi %scan3A_9, %scan3A_10 : i32
    %scan3A_12 = arith.constant 1 : i32
    scf.for %scan3A_22 = %scan3A_9 to %scan3A_11 step %scan3A_12  : i32 {
      %mul3A_23 = arith.constant 2 : i32
      %mul3A_24 = arith.muli %mul3A_23, %scan3A_22 : i32
      %add3A_25 = arith.constant 1 : i32
      %add3A_26 = arith.addi %mul3A_24, %add3A_25 : i32
      %dma_start3A_27 = arith.constant 0 : i32
      %dma_start3A_28 = tpu.memref_slice %arg5[%add3A_26, %dma_start3A_27] : memref<125x40xi32, #tpu.memory_space<vmem>> -> memref<1x40xi32, #tpu.memory_space<vmem>>
      %dma_start3A_29 = tpu.memref_squeeze %dma_start3A_28 : memref<1x40xi32, #tpu.memory_space<vmem>> -> memref<40xi32, #tpu.memory_space<vmem>>
      %dma_start3A_30 = arith.constant 0 : i32
      %dma_start3A_31 = arith.constant 0 : i32
      %dma_start3A_32 = tpu.memref_slice %arg2[%dma_start3A_30, %dma_start3A_31] : memref<10000x128xf32, #tpu.memory_space<hbm>> -> memref<10000x128xf32, #tpu.memory_space<hbm>>
      tpu.enqueue_indirect_dma source(%dma_start3A_32 : memref<10000x128xf32, #tpu.memory_space<hbm>>) target(%arg7 : memref<40x128xf32, #tpu.memory_space<vmem>>) offsets(%dma_start3A_29 : memref<40xi32, #tpu.memory_space<vmem>>) semaphore(%arg9 : memref<!tpu.dma_semaphore, #tpu.memory_space<semaphore_mem>>)
      %dma_wait3A_33 = arith.constant 0 : i32
      %dma_wait3A_34 = tpu.memref_slice %arg5[%mul3A_24, %dma_wait3A_33] : memref<125x40xi32, #tpu.memory_space<vmem>> -> memref<1x40xi32, #tpu.memory_space<vmem>>
      %dma_wait3A_35 = tpu.memref_squeeze %dma_wait3A_34 : memref<1x40xi32, #tpu.memory_space<vmem>> -> memref<40xi32, #tpu.memory_space<vmem>>
      %dma_wait3A_36 = arith.constant 0 : i32
      %dma_wait3A_37 = arith.constant 0 : i32
      %dma_wait3A_38 = tpu.memref_slice %arg2[%dma_wait3A_36, %dma_wait3A_37] : memref<10000x128xf32, #tpu.memory_space<hbm>> -> memref<10000x128xf32, #tpu.memory_space<hbm>>
      tpu.wait_indirect_dma semaphore(%arg8 : memref<!tpu.dma_semaphore, #tpu.memory_space<semaphore_mem>>) src(%dma_wait3A_38 : memref<10000x128xf32, #tpu.memory_space<hbm>>) dst(%arg6 : memref<40x128xf32, #tpu.memory_space<vmem>>)
      %mul3A_39 = arith.constant 40 : i32
      %mul3A_40 = arith.muli %mul3A_24, %mul3A_39 : i32
      %add3A_41 = arith.addi %mul3A_2, %mul3A_40 : i32
      "tpu.region"() ({
        %run_scoped3A = tpu.sem_alloc : memref<!tpu.dma_semaphore, #tpu.memory_space<semaphore_mem>>
        %dma_start3A_63 = arith.constant 0 : i32
        %dma_start3A_64 = tpu.memref_slice %arg4[%add3A_41, %dma_start3A_63] : memref<160000x128xf32, #tpu.memory_space<hbm>> -> memref<40x128xf32, #tpu.memory_space<hbm>>
        %dma_start3A_65 = arith.constant 0 : i32
        %dma_start3A_66 = tpu.memref_slice %arg4[%add3A_41, %dma_start3A_65] : memref<160000x128xf32, #tpu.memory_space<hbm>> -> memref<40x128xf32, #tpu.memory_space<hbm>>
        tpu.enqueue_dma source(%arg6 : memref<40x128xf32, #tpu.memory_space<vmem>>) target(%dma_start3A_66 : memref<40x128xf32, #tpu.memory_space<hbm>>) target_semaphore(%run_scoped3A : memref<!tpu.dma_semaphore, #tpu.memory_space<semaphore_mem>>)
        %dma_wait3A_67 = arith.constant 0 : i32
        %dma_wait3A_68 = tpu.memref_slice %arg4[%add3A_41, %dma_wait3A_67] : memref<160000x128xf32, #tpu.memory_space<hbm>> -> memref<40x128xf32, #tpu.memory_space<hbm>>
        %dma_wait3A_69 = arith.constant 0 : i32
        %dma_wait3A_70 = tpu.memref_slice %arg4[%add3A_41, %dma_wait3A_69] : memref<160000x128xf32, #tpu.memory_space<hbm>> -> memref<40x128xf32, #tpu.memory_space<hbm>>
        tpu.wait_dma2 semaphore(%run_scoped3A : memref<!tpu.dma_semaphore, #tpu.memory_space<semaphore_mem>>) src(%arg6 : memref<40x128xf32, #tpu.memory_space<vmem>>) dst(%dma_wait3A_70 : memref<40x128xf32, #tpu.memory_space<hbm>>)
        tpu.yield
      }) : () -> ()
      %add3A_42 = arith.constant 2 : i32
      %add3A_43 = arith.addi %mul3A_24, %add3A_42 : i32
      %dma_start3A_44 = arith.constant 0 : i32
      %dma_start3A_45 = tpu.memref_slice %arg5[%add3A_43, %dma_start3A_44] : memref<125x40xi32, #tpu.memory_space<vmem>> -> memref<1x40xi32, #tpu.memory_space<vmem>>
      %dma_start3A_46 = tpu.memref_squeeze %dma_start3A_45 : memref<1x40xi32, #tpu.memory_space<vmem>> -> memref<40xi32, #tpu.memory_space<vmem>>
      %dma_start3A_47 = arith.constant 0 : i32
      %dma_start3A_48 = arith.constant 0 : i32
      %dma_start3A_49 = tpu.memref_slice %arg2[%dma_start3A_47, %dma_start3A_48] : memref<10000x128xf32, #tpu.memory_space<hbm>> -> memref<10000x128xf32, #tpu.memory_space<hbm>>
      tpu.enqueue_indirect_dma source(%dma_start3A_49 : memref<10000x128xf32, #tpu.memory_space<hbm>>) target(%arg6 : memref<40x128xf32, #tpu.memory_space<vmem>>) offsets(%dma_start3A_46 : memref<40xi32, #tpu.memory_space<vmem>>) semaphore(%arg8 : memref<!tpu.dma_semaphore, #tpu.memory_space<semaphore_mem>>)
      %add3A_50 = arith.constant 1 : i32
      %add3A_51 = arith.addi %mul3A_24, %add3A_50 : i32
      %dma_wait3A_52 = arith.constant 0 : i32
      %dma_wait3A_53 = tpu.memref_slice %arg5[%add3A_51, %dma_wait3A_52] : memref<125x40xi32, #tpu.memory_space<vmem>> -> memref<1x40xi32, #tpu.memory_space<vmem>>
      %dma_wait3A_54 = tpu.memref_squeeze %dma_wait3A_53 : memref<1x40xi32, #tpu.memory_space<vmem>> -> memref<40xi32, #tpu.memory_space<vmem>>
      %dma_wait3A_55 = arith.constant 0 : i32
      %dma_wait3A_56 = arith.constant 0 : i32
      %dma_wait3A_57 = tpu.memref_slice %arg2[%dma_wait3A_55, %dma_wait3A_56] : memref<10000x128xf32, #tpu.memory_space<hbm>> -> memref<10000x128xf32, #tpu.memory_space<hbm>>
      tpu.wait_indirect_dma semaphore(%arg9 : memref<!tpu.dma_semaphore, #tpu.memory_space<semaphore_mem>>) src(%dma_wait3A_57 : memref<10000x128xf32, #tpu.memory_space<hbm>>) dst(%arg7 : memref<40x128xf32, #tpu.memory_space<vmem>>)
      %add3A_58 = arith.constant 1 : i32
      %add3A_59 = arith.addi %mul3A_24, %add3A_58 : i32
      %mul3A_60 = arith.constant 40 : i32
      %mul3A_61 = arith.muli %add3A_59, %mul3A_60 : i32
      %add3A_62 = arith.addi %mul3A_2, %mul3A_61 : i32
      "tpu.region"() ({
        %run_scoped3A = tpu.sem_alloc : memref<!tpu.dma_semaphore, #tpu.memory_space<semaphore_mem>>
        %dma_start3A_63 = arith.constant 0 : i32
        %dma_start3A_64 = tpu.memref_slice %arg4[%add3A_62, %dma_start3A_63] : memref<160000x128xf32, #tpu.memory_space<hbm>> -> memref<40x128xf32, #tpu.memory_space<hbm>>
        %dma_start3A_65 = arith.constant 0 : i32
        %dma_start3A_66 = tpu.memref_slice %arg4[%add3A_62, %dma_start3A_65] : memref<160000x128xf32, #tpu.memory_space<hbm>> -> memref<40x128xf32, #tpu.memory_space<hbm>>
        tpu.enqueue_dma source(%arg7 : memref<40x128xf32, #tpu.memory_space<vmem>>) target(%dma_start3A_66 : memref<40x128xf32, #tpu.memory_space<hbm>>) target_semaphore(%run_scoped3A : memref<!tpu.dma_semaphore, #tpu.memory_space<semaphore_mem>>)
        %dma_wait3A_67 = arith.constant 0 : i32
        %dma_wait3A_68 = tpu.memref_slice %arg4[%add3A_62, %dma_wait3A_67] : memref<160000x128xf32, #tpu.memory_space<hbm>> -> memref<40x128xf32, #tpu.memory_space<hbm>>
        %dma_wait3A_69 = arith.constant 0 : i32
        %dma_wait3A_70 = tpu.memref_slice %arg4[%add3A_62, %dma_wait3A_69] : memref<160000x128xf32, #tpu.memory_space<hbm>> -> memref<40x128xf32, #tpu.memory_space<hbm>>
        tpu.wait_dma2 semaphore(%run_scoped3A : memref<!tpu.dma_semaphore, #tpu.memory_space<semaphore_mem>>) src(%arg7 : memref<40x128xf32, #tpu.memory_space<vmem>>) dst(%dma_wait3A_70 : memref<40x128xf32, #tpu.memory_space<hbm>>)
        tpu.yield
      }) : () -> ()
    }
    %scan3A_13 = arith.constant 62 : i32
    %dma_wait3A = arith.constant 124 : i32
    %dma_wait3A_14 = arith.constant 0 : i32
    %dma_wait3A_15 = tpu.memref_slice %arg5[%dma_wait3A, %dma_wait3A_14] : memref<125x40xi32, #tpu.memory_space<vmem>> -> memref<1x40xi32, #tpu.memory_space<vmem>>
    %dma_wait3A_16 = tpu.memref_squeeze %dma_wait3A_15 : memref<1x40xi32, #tpu.memory_space<vmem>> -> memref<40xi32, #tpu.memory_space<vmem>>
    %dma_wait3A_17 = arith.constant 0 : i32
    %dma_wait3A_18 = arith.constant 0 : i32
    %dma_wait3A_19 = tpu.memref_slice %arg2[%dma_wait3A_17, %dma_wait3A_18] : memref<10000x128xf32, #tpu.memory_space<hbm>> -> memref<10000x128xf32, #tpu.memory_space<hbm>>
    tpu.wait_indirect_dma semaphore(%arg8 : memref<!tpu.dma_semaphore, #tpu.memory_space<semaphore_mem>>) src(%dma_wait3A_19 : memref<10000x128xf32, #tpu.memory_space<hbm>>) dst(%arg6 : memref<40x128xf32, #tpu.memory_space<vmem>>)
    %add3A_20 = arith.constant 4960 : i32
    %add3A_21 = arith.addi %mul3A_2, %add3A_20 : i32
    "tpu.region"() ({
      %run_scoped3A = tpu.sem_alloc : memref<!tpu.dma_semaphore, #tpu.memory_space<semaphore_mem>>
      %dma_start3A_22 = arith.constant 0 : i32
      %dma_start3A_23 = tpu.memref_slice %arg4[%add3A_21, %dma_start3A_22] : memref<160000x128xf32, #tpu.memory_space<hbm>> -> memref<40x128xf32, #tpu.memory_space<hbm>>
      %dma_start3A_24 = arith.constant 0 : i32
      %dma_start3A_25 = tpu.memref_slice %arg4[%add3A_21, %dma_start3A_24] : memref<160000x128xf32, #tpu.memory_space<hbm>> -> memref<40x128xf32, #tpu.memory_space<hbm>>
      tpu.enqueue_dma source(%arg6 : memref<40x128xf32, #tpu.memory_space<vmem>>) target(%dma_start3A_25 : memref<40x128xf32, #tpu.memory_space<hbm>>) target_semaphore(%run_scoped3A : memref<!tpu.dma_semaphore, #tpu.memory_space<semaphore_mem>>)
      %dma_wait3A_26 = arith.constant 0 : i32
      %dma_wait3A_27 = tpu.memref_slice %arg4[%add3A_21, %dma_wait3A_26] : memref<160000x128xf32, #tpu.memory_space<hbm>> -> memref<40x128xf32, #tpu.memory_space<hbm>>
      %dma_wait3A_28 = arith.constant 0 : i32
      %dma_wait3A_29 = tpu.memref_slice %arg4[%add3A_21, %dma_wait3A_28] : memref<160000x128xf32, #tpu.memory_space<hbm>> -> memref<40x128xf32, #tpu.memory_space<hbm>>
      tpu.wait_dma2 semaphore(%run_scoped3A : memref<!tpu.dma_semaphore, #tpu.memory_space<semaphore_mem>>) src(%arg6 : memref<40x128xf32, #tpu.memory_space<vmem>>) dst(%dma_wait3A_29 : memref<40x128xf32, #tpu.memory_space<hbm>>)
      tpu.yield
    }) : () -> ()
    return
  }
}

#map = affine_map<(d0, d1) -> (0, 0)>
#map1 = affine_map<(d0, d1) -> (0, 0, 0)>
module attributes {stable_mosaic.version = 14 : i64} {
  func.func @gat(%arg0: i32, %arg1: i32, %arg2: memref<10000x128xf32, #tpu.memory_space<hbm>>, %arg3: memref<32x125x40xi32, #tpu.memory_space<hbm>>, %arg4: memref<160000x128xf32, #tpu.memory_space<hbm>>, %arg5: memref<125x40xi32, #tpu.memory_space<vmem>>, %arg6: memref<40x128xf32, #tpu.memory_space<vmem>>, %arg7: memref<40x128xf32, #tpu.memory_space<vmem>>, %arg8: memref<!tpu.dma_semaphore, #tpu.memory_space<semaphore_mem>>, %arg9: memref<!tpu.dma_semaphore, #tpu.memory_space<semaphore_mem>>) attributes {dimension_semantics = [#tpu.dimension_semantics<core_parallel>, #tpu.dimension_semantics<subcore_parallel>], iteration_bounds = array<i64: 2, 16>, scalar_prefetch = 0 : i64, scratch_operands = 5 : i64, tpu.core_type = #tpu.core_type<sc_vector_subcore>, window_params = [{transform_indices = #map}, {transform_indices = #map1}, {transform_indices = #map}]} {
    %mul3A = arith.constant 2 : i32
    %mul3A_0 = arith.muli %arg1, %mul3A : i32
    %add3A = arith.addi %mul3A_0, %arg0 : i32
    %mul3A_1 = arith.constant 5000 : i32
    %mul3A_2 = arith.muli %add3A, %mul3A_1 : i32
    "tpu.region"() ({
      %run_scoped3A = tpu.sem_alloc : memref<!tpu.dma_semaphore, #tpu.memory_space<semaphore_mem>>
      %dma_start3A_22 = arith.constant 0 : i32
      %dma_start3A_23 = arith.constant 0 : i32
      %dma_start3A_24 = tpu.memref_slice %arg3[%add3A, %dma_start3A_22, %dma_start3A_23] : memref<32x125x40xi32, #tpu.memory_space<hbm>> -> memref<1x125x40xi32, #tpu.memory_space<hbm>>
      %dma_start3A_25 = tpu.memref_squeeze %dma_start3A_24 : memref<1x125x40xi32, #tpu.memory_space<hbm>> -> memref<125x40xi32, #tpu.memory_space<hbm>>
      %dma_start3A_26 = arith.constant 0 : i32
      %dma_start3A_27 = arith.constant 0 : i32
      %dma_start3A_28 = tpu.memref_slice %arg3[%add3A, %dma_start3A_26, %dma_start3A_27] : memref<32x125x40xi32, #tpu.memory_space<hbm>> -> memref<1x125x40xi32, #tpu.memory_space<hbm>>
      %dma_start3A_29 = tpu.memref_squeeze %dma_start3A_28 : memref<1x125x40xi32, #tpu.memory_space<hbm>> -> memref<125x40xi32, #tpu.memory_space<hbm>>
      tpu.enqueue_dma source(%dma_start3A_29 : memref<125x40xi32, #tpu.memory_space<hbm>>) target(%arg5 : memref<125x40xi32, #tpu.memory_space<vmem>>) target_semaphore(%run_scoped3A : memref<!tpu.dma_semaphore, #tpu.memory_space<semaphore_mem>>)
      %dma_wait3A_30 = arith.constant 0 : i32
      %dma_wait3A_31 = arith.constant 0 : i32
      %dma_wait3A_32 = tpu.memref_slice %arg3[%add3A, %dma_wait3A_30, %dma_wait3A_31] : memref<32x125x40xi32, #tpu.memory_space<hbm>> -> memref<1x125x40xi32, #tpu.memory_space<hbm>>
      %dma_wait3A_33 = tpu.memref_squeeze %dma_wait3A_32 : memref<1x125x40xi32, #tpu.memory_space<hbm>> -> memref<125x40xi32, #tpu.memory_space<hbm>>
      %dma_wait3A_34 = arith.constant 0 : i32
      %dma_wait3A_35 = arith.constant 0 : i32
      %dma_wait3A_36 = tpu.memref_slice %arg3[%add3A, %dma_wait3A_34, %dma_wait3A_35] : memref<32x125x40xi32, #tpu.memory_space<hbm>> -> memref<1x125x40xi32, #tpu.memory_space<hbm>>
      %dma_wait3A_37 = tpu.memref_squeeze %dma_wait3A_36 : memref<1x125x40xi32, #tpu.memory_space<hbm>> -> memref<125x40xi32, #tpu.memory_space<hbm>>
      tpu.wait_dma2 semaphore(%run_scoped3A : memref<!tpu.dma_semaphore, #tpu.memory_space<semaphore_mem>>) src(%dma_wait3A_37 : memref<125x40xi32, #tpu.memory_space<hbm>>) dst(%arg5 : memref<125x40xi32, #tpu.memory_space<vmem>>)
      tpu.yield
    }) : () -> ()
    %dma_start3A = arith.constant 0 : i32
    %dma_start3A_3 = arith.constant 0 : i32
    %dma_start3A_4 = tpu.memref_slice %arg5[%dma_start3A, %dma_start3A_3] : memref<125x40xi32, #tpu.memory_space<vmem>> -> memref<1x40xi32, #tpu.memory_space<vmem>>
    %dma_start3A_5 = tpu.memref_squeeze %dma_start3A_4 : memref<1x40xi32, #tpu.memory_space<vmem>> -> memref<40xi32, #tpu.memory_space<vmem>>
    %dma_start3A_6 = arith.constant 0 : i32
    %dma_start3A_7 = arith.constant 0 : i32
    %dma_start3A_8 = tpu.memref_slice %arg2[%dma_start3A_6, %dma_start3A_7] : memref<10000x128xf32, #tpu.memory_space<hbm>> -> memref<10000x128xf32, #tpu.memory_space<hbm>>
    tpu.enqueue_indirect_dma source(%dma_start3A_8 : memref<10000x128xf32, #tpu.memory_space<hbm>>) target(%arg6 : memref<40x128xf32, #tpu.memory_space<vmem>>) offsets(%dma_start3A_5 : memref<40xi32, #tpu.memory_space<vmem>>) semaphore(%arg8 : memref<!tpu.dma_semaphore, #tpu.memory_space<semaphore_mem>>)
    %scan3A = arith.constant 0 : i32
    %scan3A_9 = arith.constant 0 : i32
    %scan3A_10 = arith.constant 62 : i32
    %scan3A_11 = arith.addi %scan3A_9, %scan3A_10 : i32
    %scan3A_12 = arith.constant 1 : i32
    scf.for %scan3A_22 = %scan3A_9 to %scan3A_11 step %scan3A_12  : i32 {
      %mul3A_23 = arith.constant 2 : i32
      %mul3A_24 = arith.muli %mul3A_23, %scan3A_22 : i32
      %add3A_25 = arith.constant 1 : i32
      %add3A_26 = arith.addi %mul3A_24, %add3A_25 : i32
      %dma_start3A_27 = arith.constant 0 : i32
      %dma_start3A_28 = tpu.memref_slice %arg5[%add3A_26, %dma_start3A_27] : memref<125x40xi32, #tpu.memory_space<vmem>> -> memref<1x40xi32, #tpu.memory_space<vmem>>
      %dma_start3A_29 = tpu.memref_squeeze %dma_start3A_28 : memref<1x40xi32, #tpu.memory_space<vmem>> -> memref<40xi32, #tpu.memory_space<vmem>>
      %dma_start3A_30 = arith.constant 0 : i32
      %dma_start3A_31 = arith.constant 0 : i32
      %dma_start3A_32 = tpu.memref_slice %arg2[%dma_start3A_30, %dma_start3A_31] : memref<10000x128xf32, #tpu.memory_space<hbm>> -> memref<10000x128xf32, #tpu.memory_space<hbm>>
      tpu.enqueue_indirect_dma source(%dma_start3A_32 : memref<10000x128xf32, #tpu.memory_space<hbm>>) target(%arg7 : memref<40x128xf32, #tpu.memory_space<vmem>>) offsets(%dma_start3A_29 : memref<40xi32, #tpu.memory_space<vmem>>) semaphore(%arg9 : memref<!tpu.dma_semaphore, #tpu.memory_space<semaphore_mem>>)
      %dma_wait3A_33 = arith.constant 0 : i32
      %dma_wait3A_34 = tpu.memref_slice %arg5[%mul3A_24, %dma_wait3A_33] : memref<125x40xi32, #tpu.memory_space<vmem>> -> memref<1x40xi32, #tpu.memory_space<vmem>>
      %dma_wait3A_35 = tpu.memref_squeeze %dma_wait3A_34 : memref<1x40xi32, #tpu.memory_space<vmem>> -> memref<40xi32, #tpu.memory_space<vmem>>
      %dma_wait3A_36 = arith.constant 0 : i32
      %dma_wait3A_37 = arith.constant 0 : i32
      %dma_wait3A_38 = tpu.memref_slice %arg2[%dma_wait3A_36, %dma_wait3A_37] : memref<10000x128xf32, #tpu.memory_space<hbm>> -> memref<10000x128xf32, #tpu.memory_space<hbm>>
      tpu.wait_indirect_dma semaphore(%arg8 : memref<!tpu.dma_semaphore, #tpu.memory_space<semaphore_mem>>) src(%dma_wait3A_38 : memref<10000x128xf32, #tpu.memory_space<hbm>>) dst(%arg6 : memref<40x128xf32, #tpu.memory_space<vmem>>)
      %mul3A_39 = arith.constant 40 : i32
      %mul3A_40 = arith.muli %mul3A_24, %mul3A_39 : i32
      %add3A_41 = arith.addi %mul3A_2, %mul3A_40 : i32
      "tpu.region"() ({
        %run_scoped3A = tpu.sem_alloc : memref<!tpu.dma_semaphore, #tpu.memory_space<semaphore_mem>>
        %dma_start3A_63 = arith.constant 0 : i32
        %dma_start3A_64 = tpu.memref_slice %arg4[%add3A_41, %dma_start3A_63] : memref<160000x128xf32, #tpu.memory_space<hbm>> -> memref<40x128xf32, #tpu.memory_space<hbm>>
        %dma_start3A_65 = arith.constant 0 : i32
        %dma_start3A_66 = tpu.memref_slice %arg4[%add3A_41, %dma_start3A_65] : memref<160000x128xf32, #tpu.memory_space<hbm>> -> memref<40x128xf32, #tpu.memory_space<hbm>>
        tpu.enqueue_dma source(%arg6 : memref<40x128xf32, #tpu.memory_space<vmem>>) target(%dma_start3A_66 : memref<40x128xf32, #tpu.memory_space<hbm>>) target_semaphore(%run_scoped3A : memref<!tpu.dma_semaphore, #tpu.memory_space<semaphore_mem>>)
        %dma_wait3A_67 = arith.constant 0 : i32
        %dma_wait3A_68 = tpu.memref_slice %arg4[%add3A_41, %dma_wait3A_67] : memref<160000x128xf32, #tpu.memory_space<hbm>> -> memref<40x128xf32, #tpu.memory_space<hbm>>
        %dma_wait3A_69 = arith.constant 0 : i32
        %dma_wait3A_70 = tpu.memref_slice %arg4[%add3A_41, %dma_wait3A_69] : memref<160000x128xf32, #tpu.memory_space<hbm>> -> memref<40x128xf32, #tpu.memory_space<hbm>>
        tpu.wait_dma2 semaphore(%run_scoped3A : memref<!tpu.dma_semaphore, #tpu.memory_space<semaphore_mem>>) src(%arg6 : memref<40x128xf32, #tpu.memory_space<vmem>>) dst(%dma_wait3A_70 : memref<40x128xf32, #tpu.memory_space<hbm>>)
        tpu.yield
      }) : () -> ()
      %add3A_42 = arith.constant 2 : i32
      %add3A_43 = arith.addi %mul3A_24, %add3A_42 : i32
      %dma_start3A_44 = arith.constant 0 : i32
      %dma_start3A_45 = tpu.memref_slice %arg5[%add3A_43, %dma_start3A_44] : memref<125x40xi32, #tpu.memory_space<vmem>> -> memref<1x40xi32, #tpu.memory_space<vmem>>
      %dma_start3A_46 = tpu.memref_squeeze %dma_start3A_45 : memref<1x40xi32, #tpu.memory_space<vmem>> -> memref<40xi32, #tpu.memory_space<vmem>>
      %dma_start3A_47 = arith.constant 0 : i32
      %dma_start3A_48 = arith.constant 0 : i32
      %dma_start3A_49 = tpu.memref_slice %arg2[%dma_start3A_47, %dma_start3A_48] : memref<10000x128xf32, #tpu.memory_space<hbm>> -> memref<10000x128xf32, #tpu.memory_space<hbm>>
      tpu.enqueue_indirect_dma source(%dma_start3A_49 : memref<10000x128xf32, #tpu.memory_space<hbm>>) target(%arg6 : memref<40x128xf32, #tpu.memory_space<vmem>>) offsets(%dma_start3A_46 : memref<40xi32, #tpu.memory_space<vmem>>) semaphore(%arg8 : memref<!tpu.dma_semaphore, #tpu.memory_space<semaphore_mem>>)
      %add3A_50 = arith.constant 1 : i32
      %add3A_51 = arith.addi %mul3A_24, %add3A_50 : i32
      %dma_wait3A_52 = arith.constant 0 : i32
      %dma_wait3A_53 = tpu.memref_slice %arg5[%add3A_51, %dma_wait3A_52] : memref<125x40xi32, #tpu.memory_space<vmem>> -> memref<1x40xi32, #tpu.memory_space<vmem>>
      %dma_wait3A_54 = tpu.memref_squeeze %dma_wait3A_53 : memref<1x40xi32, #tpu.memory_space<vmem>> -> memref<40xi32, #tpu.memory_space<vmem>>
      %dma_wait3A_55 = arith.constant 0 : i32
      %dma_wait3A_56 = arith.constant 0 : i32
      %dma_wait3A_57 = tpu.memref_slice %arg2[%dma_wait3A_55, %dma_wait3A_56] : memref<10000x128xf32, #tpu.memory_space<hbm>> -> memref<10000x128xf32, #tpu.memory_space<hbm>>
      tpu.wait_indirect_dma semaphore(%arg9 : memref<!tpu.dma_semaphore, #tpu.memory_space<semaphore_mem>>) src(%dma_wait3A_57 : memref<10000x128xf32, #tpu.memory_space<hbm>>) dst(%arg7 : memref<40x128xf32, #tpu.memory_space<vmem>>)
      %add3A_58 = arith.constant 1 : i32
      %add3A_59 = arith.addi %mul3A_24, %add3A_58 : i32
      %mul3A_60 = arith.constant 40 : i32
      %mul3A_61 = arith.muli %add3A_59, %mul3A_60 : i32
      %add3A_62 = arith.addi %mul3A_2, %mul3A_61 : i32
      "tpu.region"() ({
        %run_scoped3A = tpu.sem_alloc : memref<!tpu.dma_semaphore, #tpu.memory_space<semaphore_mem>>
        %dma_start3A_63 = arith.constant 0 : i32
        %dma_start3A_64 = tpu.memref_slice %arg4[%add3A_62, %dma_start3A_63] : memref<160000x128xf32, #tpu.memory_space<hbm>> -> memref<40x128xf32, #tpu.memory_space<hbm>>
        %dma_start3A_65 = arith.constant 0 : i32
        %dma_start3A_66 = tpu.memref_slice %arg4[%add3A_62, %dma_start3A_65] : memref<160000x128xf32, #tpu.memory_space<hbm>> -> memref<40x128xf32, #tpu.memory_space<hbm>>
        tpu.enqueue_dma source(%arg7 : memref<40x128xf32, #tpu.memory_space<vmem>>) target(%dma_start3A_66 : memref<40x128xf32, #tpu.memory_space<hbm>>) target_semaphore(%run_scoped3A : memref<!tpu.dma_semaphore, #tpu.memory_space<semaphore_mem>>)
        %dma_wait3A_67 = arith.constant 0 : i32
        %dma_wait3A_68 = tpu.memref_slice %arg4[%add3A_62, %dma_wait3A_67] : memref<160000x128xf32, #tpu.memory_space<hbm>> -> memref<40x128xf32, #tpu.memory_space<hbm>>
        %dma_wait3A_69 = arith.constant 0 : i32
        %dma_wait3A_70 = tpu.memref_slice %arg4[%add3A_62, %dma_wait3A_69] : memref<160000x128xf32, #tpu.memory_space<hbm>> -> memref<40x128xf32, #tpu.memory_space<hbm>>
        tpu.wait_dma2 semaphore(%run_scoped3A : memref<!tpu.dma_semaphore, #tpu.memory_space<semaphore_mem>>) src(%arg7 : memref<40x128xf32, #tpu.memory_space<vmem>>) dst(%dma_wait3A_70 : memref<40x128xf32, #tpu.memory_space<hbm>>)
        tpu.yield
      }) : () -> ()
    }
    %scan3A_13 = arith.constant 62 : i32
    %dma_wait3A = arith.constant 124 : i32
    %dma_wait3A_14 = arith.constant 0 : i32
    %dma_wait3A_15 = tpu.memref_slice %arg5[%dma_wait3A, %dma_wait3A_14] : memref<125x40xi32, #tpu.memory_space<vmem>> -> memref<1x40xi32, #tpu.memory_space<vmem>>
    %dma_wait3A_16 = tpu.memref_squeeze %dma_wait3A_15 : memref<1x40xi32, #tpu.memory_space<vmem>> -> memref<40xi32, #tpu.memory_space<vmem>>
    %dma_wait3A_17 = arith.constant 0 : i32
    %dma_wait3A_18 = arith.constant 0 : i32
    %dma_wait3A_19 = tpu.memref_slice %arg2[%dma_wait3A_17, %dma_wait3A_18] : memref<10000x128xf32, #tpu.memory_space<hbm>> -> memref<10000x128xf32, #tpu.memory_space<hbm>>
    tpu.wait_indirect_dma semaphore(%arg8 : memref<!tpu.dma_semaphore, #tpu.memory_space<semaphore_mem>>) src(%dma_wait3A_19 : memref<10000x128xf32, #tpu.memory_space<hbm>>) dst(%arg6 : memref<40x128xf32, #tpu.memory_space<vmem>>)
    %add3A_20 = arith.constant 4960 : i32
    %add3A_21 = arith.addi %mul3A_2, %add3A_20 : i32
    "tpu.region"() ({
      %run_scoped3A = tpu.sem_alloc : memref<!tpu.dma_semaphore, #tpu.memory_space<semaphore_mem>>
      %dma_start3A_22 = arith.constant 0 : i32
      %dma_start3A_23 = tpu.memref_slice %arg4[%add3A_21, %dma_start3A_22] : memref<160000x128xf32, #tpu.memory_space<hbm>> -> memref<40x128xf32, #tpu.memory_space<hbm>>
      %dma_start3A_24 = arith.constant 0 : i32
      %dma_start3A_25 = tpu.memref_slice %arg4[%add3A_21, %dma_start3A_24] : memref<160000x128xf32, #tpu.memory_space<hbm>> -> memref<40x128xf32, #tpu.memory_space<hbm>>
      tpu.enqueue_dma source(%arg6 : memref<40x128xf32, #tpu.memory_space<vmem>>) target(%dma_start3A_25 : memref<40x128xf32, #tpu.memory_space<hbm>>) target_semaphore(%run_scoped3A : memref<!tpu.dma_semaphore, #tpu.memory_space<semaphore_mem>>)
      %dma_wait3A_26 = arith.constant 0 : i32
      %dma_wait3A_27 = tpu.memref_slice %arg4[%add3A_21, %dma_wait3A_26] : memref<160000x128xf32, #tpu.memory_space<hbm>> -> memref<40x128xf32, #tpu.memory_space<hbm>>
      %dma_wait3A_28 = arith.constant 0 : i32
      %dma_wait3A_29 = tpu.memref_slice %arg4[%add3A_21, %dma_wait3A_28] : memref<160000x128xf32, #tpu.memory_space<hbm>> -> memref<40x128xf32, #tpu.memory_space<hbm>>
      tpu.wait_dma2 semaphore(%run_scoped3A : memref<!tpu.dma_semaphore, #tpu.memory_space<semaphore_mem>>) src(%arg6 : memref<40x128xf32, #tpu.memory_space<vmem>>) dst(%dma_wait3A_29 : memref<40x128xf32, #tpu.memory_space<hbm>>)
      tpu.yield
    }) : () -> ()
    return
  }
}

module attributes {stable_mosaic.version = 14 : i64} {
  func.func @_k1_body(%arg0: i32, %arg1: memref<1000x128xf32, #tpu.memory_space<vmem>>, %arg2: memref<1000x3xf32, #tpu.memory_space<vmem>>, %arg3: memref<128x64xf32, #tpu.memory_space<vmem>>, %arg4: memref<1x64xf32, #tpu.memory_space<vmem>>, %arg5: memref<128x256xf32, #tpu.memory_space<vmem>>, %arg6: memref<1x256xf32, #tpu.memory_space<vmem>>, %arg7: memref<1000x128xf32, #tpu.memory_space<vmem>>, %arg8: memref<1000x256xf32, #tpu.memory_space<vmem>>, %arg9: memref<8x64xf32, #tpu.memory_space<vmem>>, %arg10: memref<8x256xf32, #tpu.memory_space<vmem>>) attributes {dimension_semantics = [#tpu.dimension_semantics<arbitrary>], iteration_bounds = array<i64: 10>, scalar_prefetch = 0 : i64, scratch_operands = 0 : i64, tpu.core_type = #tpu.core_type<tc>, window_params = [{transform_indices = @transform_0, window_bounds = array<i64: 1000, 128>}, {transform_indices = @transform_1, window_bounds = array<i64: 1000, 3>}, {pipeline_mode = #tpu.pipeline_mode<synchronous>, transform_indices = @transform_2, window_bounds = array<i64: 128, 64>}, {pipeline_mode = #tpu.pipeline_mode<synchronous>, transform_indices = @transform_3, window_bounds = array<i64: 1, 64>}, {pipeline_mode = #tpu.pipeline_mode<synchronous>, transform_indices = @transform_4, window_bounds = array<i64: 128, 256>}, {pipeline_mode = #tpu.pipeline_mode<synchronous>, transform_indices = @transform_5, window_bounds = array<i64: 1, 256>}, {transform_indices = @transform_6, window_bounds = array<i64: 1000, 128>}, {transform_indices = @transform_7, window_bounds = array<i64: 1000, 256>}, {pipeline_mode = #tpu.pipeline_mode<synchronous>, transform_indices = @transform_8, window_bounds = array<i64: 8, 64>}, {pipeline_mode = #tpu.pipeline_mode<synchronous>, transform_indices = @transform_9, window_bounds = array<i64: 8, 256>}]} {
    %get3A = arith.constant 0 : index
    %get3A_0 = arith.constant 0 : index
    %get3A_1 = vector.load %arg1[%get3A, %get3A_0] : memref<1000x128xf32, #tpu.memory_space<vmem>>, vector<1000x128xf32>
    %get3A_2 = arith.constant 0 : index
    %get3A_3 = arith.constant 0 : index
    %get3A_4 = vector.load %arg3[%get3A_2, %get3A_3] : memref<128x64xf32, #tpu.memory_space<vmem>>, vector<128x64xf32>
    %dot_general3A = arith.constant dense<0.000000e+00> : vector<1000x64xf32>
    %dot_general3A_5 = tpu.matmul %get3A_1, %get3A_4, %dot_general3A {dimension_numbers = #tpu.dot_dimension_numbers<[1], [0], [0], [1], [0, 0, 1, 1], [], []>, transpose_lhs_hint = false} : vector<1000x128xf32>, vector<128x64xf32>, vector<1000x64xf32> -> vector<1000x64xf32>
    %get3A_6 = arith.constant 0 : index
    %get3A_7 = arith.constant 0 : index
    %get3A_8 = vector.load %arg4[%get3A_6, %get3A_7] : memref<1x64xf32, #tpu.memory_space<vmem>>, vector<1x64xf32>
    %add3A = vector.broadcast %get3A_8 : vector<1x64xf32> to vector<1000x64xf32>
    %add3A_9 = arith.addf %dot_general3A_5, %add3A : vector<1000x64xf32>
    %get3A_10 = arith.constant 0 : index
    %get3A_11 = arith.constant 0 : index
    %get3A_12 = vector.load %arg5[%get3A_10, %get3A_11] : memref<128x256xf32, #tpu.memory_space<vmem>>, vector<128x256xf32>
    %dot_general3A_13 = arith.constant dense<0.000000e+00> : vector<1000x256xf32>
    %dot_general3A_14 = tpu.matmul %get3A_1, %get3A_12, %dot_general3A_13 {dimension_numbers = #tpu.dot_dimension_numbers<[1], [0], [0], [1], [0, 0, 1, 1], [], []>, transpose_lhs_hint = false} : vector<1000x128xf32>, vector<128x256xf32>, vector<1000x256xf32> -> vector<1000x256xf32>
    %get3A_15 = arith.constant 0 : index
    %get3A_16 = arith.constant 0 : index
    %get3A_17 = vector.load %arg6[%get3A_15, %get3A_16] : memref<1x256xf32, #tpu.memory_space<vmem>>, vector<1x256xf32>
    %add3A_18 = vector.broadcast %get3A_17 : vector<1x256xf32> to vector<1000x256xf32>
    %add3A_19 = arith.addf %dot_general3A_14, %add3A_18 : vector<1000x256xf32>
    %get3A_20 = arith.constant 0 : index
    %get3A_21 = arith.constant 0 : index
    %get3A_22 = vector.load %arg2[%get3A_20, %get3A_21] : memref<1000x3xf32, #tpu.memory_space<vmem>>, vector<1000x3xf32>
    %broadcast_in_dim3A = arith.constant 0.000000e+00 : f32
    %broadcast_in_dim3A_23 = vector.broadcast %broadcast_in_dim3A : f32 to vector<1000x61xf32>
    %concatenate3A = tpu.concatenate %add3A_9, %get3A_22, %broadcast_in_dim3A_23 in 1 : vector<1000x64xf32>, vector<1000x3xf32>, vector<1000x61xf32> -> vector<1000x128xf32>
    %swap3A = arith.constant 0 : index
    %swap3A_24 = arith.constant 0 : index
    %swap3A_25 = vector.load %arg7[%swap3A, %swap3A_24] : memref<1000x128xf32, #tpu.memory_space<vmem>>, vector<1000x128xf32>
    tpu.vector_store %arg7[%swap3A, %swap3A_24], %concatenate3A {strides = array<i32>} : memref<1000x128xf32, #tpu.memory_space<vmem>>, vector<1000x128xf32>,
    %swap3A_26 = arith.constant 0 : index
    %swap3A_27 = arith.constant 0 : index
    %swap3A_28 = vector.load %arg8[%swap3A_26, %swap3A_27] : memref<1000x256xf32, #tpu.memory_space<vmem>>, vector<1000x256xf32>
    tpu.vector_store %arg8[%swap3A_26, %swap3A_27], %add3A_19 {strides = array<i32>} : memref<1000x256xf32, #tpu.memory_space<vmem>>, vector<1000x256xf32>,
    %eq3A = arith.constant 0 : i32
    %eq3A_29 = arith.cmpi eq, %arg0, %eq3A : i32
    %convert_element_type3A = arith.extui %eq3A_29 : i1 to i32
    %cond3A = arith.constant 0 : i32
    %cond3A_30 = arith.cmpi ne, %convert_element_type3A, %cond3A : i32
    scf.if %cond3A_30 {
      %broadcast_in_dim3A_71 = arith.constant 0.000000e+00 : f32
      %broadcast_in_dim3A_72 = vector.broadcast %broadcast_in_dim3A_71 : f32 to vector<8x64xf32>
      %swap3A_73 = arith.constant 0 : index
      %swap3A_74 = arith.constant 0 : index
      %swap3A_75 = vector.load %arg9[%swap3A_73, %swap3A_74] : memref<8x64xf32, #tpu.memory_space<vmem>>, vector<8x64xf32>
      tpu.vector_store %arg9[%swap3A_73, %swap3A_74], %broadcast_in_dim3A_72 {strides = array<i32>} : memref<8x64xf32, #tpu.memory_space<vmem>>, vector<8x64xf32>,
      %broadcast_in_dim3A_76 = arith.constant 0.000000e+00 : f32
      %broadcast_in_dim3A_77 = vector.broadcast %broadcast_in_dim3A_76 : f32 to vector<8x256xf32>
      %swap3A_78 = arith.constant 0 : index
      %swap3A_79 = arith.constant 0 : index
      %swap3A_80 = vector.load %arg10[%swap3A_78, %swap3A_79] : memref<8x256xf32, #tpu.memory_space<vmem>>, vector<8x256xf32>
      tpu.vector_store %arg10[%swap3A_78, %swap3A_79], %broadcast_in_dim3A_77 {strides = array<i32>} : memref<8x256xf32, #tpu.memory_space<vmem>>, vector<8x256xf32>,
    } else {
    }
    %get3A_31 = arith.constant 0 : index
    %get3A_32 = arith.constant 0 : index
    %get3A_33 = vector.load %arg9[%get3A_31, %get3A_32] : memref<8x64xf32, #tpu.memory_space<vmem>>, vector<1x64xf32>
    %reduce_sum3A = arith.constant dense<0.000000e+00> : vector<64xf32>
    %reduce_sum3A_34 = vector.multi_reduction <add>, %add3A_9, %reduce_sum3A [0] : vector<1000x64xf32> to vector<64xf32>
    %broadcast_in_dim3A_35 = vector.shape_cast %reduce_sum3A_34 : vector<64xf32> to vector<1x64xf32>
    %add3A_36 = arith.addf %get3A_33, %broadcast_in_dim3A_35 : vector<1x64xf32>
    %swap3A_37 = arith.constant 0 : index
    %swap3A_38 = arith.constant 0 : index
    %swap3A_39 = vector.load %arg9[%swap3A_37, %swap3A_38] : memref<8x64xf32, #tpu.memory_space<vmem>>, vector<1x64xf32>
    tpu.vector_store %arg9[%swap3A_37, %swap3A_38], %add3A_36 {strides = array<i32>} : memref<8x64xf32, #tpu.memory_space<vmem>>, vector<1x64xf32>,
    %get3A_40 = arith.constant 1 : index
    %get3A_41 = arith.constant 0 : index
    %get3A_42 = vector.load %arg9[%get3A_40, %get3A_41] : memref<8x64xf32, #tpu.memory_space<vmem>>, vector<1x64xf32>
    %mul3A = arith.mulf %add3A_9, %add3A_9 : vector<1000x64xf32>
    %reduce_sum3A_43 = arith.constant dense<0.000000e+00> : vector<64xf32>
    %reduce_sum3A_44 = vector.multi_reduction <add>, %mul3A, %reduce_sum3A_43 [0] : vector<1000x64xf32> to vector<64xf32>
    %broadcast_in_dim3A_45 = vector.shape_cast %reduce_sum3A_44 : vector<64xf32> to vector<1x64xf32>
    %add3A_46 = arith.addf %get3A_42, %broadcast_in_dim3A_45 : vector<1x64xf32>
    %swap3A_47 = arith.constant 1 : index
    %swap3A_48 = arith.constant 0 : index
    %swap3A_49 = vector.load %arg9[%swap3A_47, %swap3A_48] : memref<8x64xf32, #tpu.memory_space<vmem>>, vector<1x64xf32>
    tpu.vector_store %arg9[%swap3A_47, %swap3A_48], %add3A_46 {strides = array<i32>} : memref<8x64xf32, #tpu.memory_space<vmem>>, vector<1x64xf32>,
    %get3A_50 = arith.constant 0 : index
    %get3A_51 = arith.constant 0 : index
    %get3A_52 = vector.load %arg10[%get3A_50, %get3A_51] : memref<8x256xf32, #tpu.memory_space<vmem>>, vector<1x256xf32>
    %reduce_sum3A_53 = arith.constant dense<0.000000e+00> : vector<256xf32>
    %reduce_sum3A_54 = vector.multi_reduction <add>, %add3A_19, %reduce_sum3A_53 [0] : vector<1000x256xf32> to vector<256xf32>
    %broadcast_in_dim3A_55 = vector.shape_cast %reduce_sum3A_54 : vector<256xf32> to vector<1x256xf32>
    %add3A_56 = arith.addf %get3A_52, %broadcast_in_dim3A_55 : vector<1x256xf32>
    %swap3A_57 = arith.constant 0 : index
    %swap3A_58 = arith.constant 0 : index
    %swap3A_59 = vector.load %arg10[%swap3A_57, %swap3A_58] : memref<8x256xf32, #tpu.memory_space<vmem>>, vector<1x256xf32>
    tpu.vector_store %arg10[%swap3A_57, %swap3A_58], %add3A_56 {strides = array<i32>} : memref<8x256xf32, #tpu.memory_space<vmem>>, vector<1x256xf32>,
    %get3A_60 = arith.constant 1 : index
    %get3A_61 = arith.constant 0 : index
    %get3A_62 = vector.load %arg10[%get3A_60, %get3A_61] : memref<8x256xf32, #tpu.memory_space<vmem>>, vector<1x256xf32>
    %mul3A_63 = arith.mulf %add3A_19, %add3A_19 : vector<1000x256xf32>
    %reduce_sum3A_64 = arith.constant dense<0.000000e+00> : vector<256xf32>
    %reduce_sum3A_65 = vector.multi_reduction <add>, %mul3A_63, %reduce_sum3A_64 [0] : vector<1000x256xf32> to vector<256xf32>
    %broadcast_in_dim3A_66 = vector.shape_cast %reduce_sum3A_65 : vector<256xf32> to vector<1x256xf32>
    %add3A_67 = arith.addf %get3A_62, %broadcast_in_dim3A_66 : vector<1x256xf32>
    %swap3A_68 = arith.constant 1 : index
    %swap3A_69 = arith.constant 0 : index
    %swap3A_70 = vector.load %arg10[%swap3A_68, %swap3A_69] : memref<8x256xf32, #tpu.memory_space<vmem>>, vector<1x256xf32>
    tpu.vector_store %arg10[%swap3A_68, %swap3A_69], %add3A_67 {strides = array<i32>} : memref<8x256xf32, #tpu.memory_space<vmem>>, vector<1x256xf32>,
    return
  }
  func.func @transform_0(%arg0: i32) -> (i32, i32) {
    %c0_i32 = arith.constant 0 : i32
    %c0_i32_0 = arith.constant 0 : i32
    return %arg0, %c0_i32 : i32, i32
  }
  func.func @transform_1(%arg0: i32) -> (i32, i32) {
    %c0_i32 = arith.constant 0 : i32
    %c0_i32_0 = arith.constant 0 : i32
    return %arg0, %c0_i32 : i32, i32
  }
  func.func @transform_2(%arg0: i32) -> (i32, i32) {
    %c0_i32 = arith.constant 0 : i32
    %c0_i32_0 = arith.constant 0 : i32
    %c0_i32_1 = arith.constant 0 : i32
    return %c0_i32, %c0_i32_0 : i32, i32
  }
  func.func @transform_3(%arg0: i32) -> (i32, i32) {
    %c0_i32 = arith.constant 0 : i32
    %c0_i32_0 = arith.constant 0 : i32
    %c0_i32_1 = arith.constant 0 : i32
    return %c0_i32, %c0_i32_0 : i32, i32
  }
  func.func @transform_4(%arg0: i32) -> (i32, i32) {
    %c0_i32 = arith.constant 0 : i32
    %c0_i32_0 = arith.constant 0 : i32
    %c0_i32_1 = arith.constant 0 : i32
    return %c0_i32, %c0_i32_0 : i32, i32
  }
  func.func @transform_5(%arg0: i32) -> (i32, i32) {
    %c0_i32 = arith.constant 0 : i32
    %c0_i32_0 = arith.constant 0 : i32
    %c0_i32_1 = arith.constant 0 : i32
    return %c0_i32, %c0_i32_0 : i32, i32
  }
  func.func @transform_6(%arg0: i32) -> (i32, i32) {
    %c0_i32 = arith.constant 0 : i32
    %c0_i32_0 = arith.constant 0 : i32
    return %arg0, %c0_i32 : i32, i32
  }
  func.func @transform_7(%arg0: i32) -> (i32, i32) {
    %c0_i32 = arith.constant 0 : i32
    %c0_i32_0 = arith.constant 0 : i32
    return %arg0, %c0_i32 : i32, i32
  }
  func.func @transform_8(%arg0: i32) -> (i32, i32) {
    %c0_i32 = arith.constant 0 : i32
    %c0_i32_0 = arith.constant 0 : i32
    %c0_i32_1 = arith.constant 0 : i32
    return %c0_i32, %c0_i32_0 : i32, i32
  }
  func.func @transform_9(%arg0: i32) -> (i32, i32) {
    %c0_i32 = arith.constant 0 : i32
    %c0_i32_0 = arith.constant 0 : i32
    %c0_i32_1 = arith.constant 0 : i32
    return %c0_i32, %c0_i32_0 : i32, i32
  }
}

module attributes {stable_mosaic.version = 14 : i64} {
  func.func @_k3_body(%arg0: i32, %arg1: memref<6400x128xf32, #tpu.memory_space<vmem>>, %arg2: memref<200x3xf32, #tpu.memory_space<vmem>>, %arg3: memref<3x16xf32, #tpu.memory_space<vmem>>, %arg4: memref<1024x64xf32, #tpu.memory_space<vmem>>, %arg5: memref<1x64xf32, #tpu.memory_space<vmem>>, %arg6: memref<1x64xf32, #tpu.memory_space<vmem>>, %arg7: memref<1x64xf32, #tpu.memory_space<vmem>>, %arg8: memref<200x64xf32, #tpu.memory_space<vmem>>, %arg9: memref<8x64xf32, #tpu.memory_space<vmem>>) attributes {dimension_semantics = [#tpu.dimension_semantics<arbitrary>], iteration_bounds = array<i64: 25>, scalar_prefetch = 0 : i64, scratch_operands = 0 : i64, tpu.core_type = #tpu.core_type<tc>, window_params = [{transform_indices = @transform_0, window_bounds = array<i64: 6400, 128>}, {transform_indices = @transform_1, window_bounds = array<i64: 200, 3>}, {pipeline_mode = #tpu.pipeline_mode<synchronous>, transform_indices = @transform_2, window_bounds = array<i64: 3, 16>}, {pipeline_mode = #tpu.pipeline_mode<synchronous>, transform_indices = @transform_3, window_bounds = array<i64: 1024, 64>}, {pipeline_mode = #tpu.pipeline_mode<synchronous>, transform_indices = @transform_4, window_bounds = array<i64: 1, 64>}, {pipeline_mode = #tpu.pipeline_mode<synchronous>, transform_indices = @transform_5, window_bounds = array<i64: 1, 64>}, {pipeline_mode = #tpu.pipeline_mode<synchronous>, transform_indices = @transform_6, window_bounds = array<i64: 1, 64>}, {transform_indices = @transform_7, window_bounds = array<i64: 200, 64>}, {pipeline_mode = #tpu.pipeline_mode<synchronous>, transform_indices = @transform_8, window_bounds = array<i64: 8, 64>}]} {
    %get3A = arith.constant 0 : index
    %get3A_0 = arith.constant 0 : index
    %get3A_1 = vector.load %arg1[%get3A, %get3A_0] : memref<6400x128xf32, #tpu.memory_space<vmem>>, vector<6400x128xf32>
    %slice3A = vector.extract_strided_slice %get3A_1 {offsets = [0, 0], sizes = [6400, 64], strides = [1, 1]} : vector<6400x128xf32> to vector<6400x64xf32>
    %get3A_2 = arith.constant 0 : index
    %get3A_3 = arith.constant 0 : index
    %get3A_4 = vector.load %arg6[%get3A_2, %get3A_3] : memref<1x64xf32, #tpu.memory_space<vmem>>, vector<1x64xf32>
    %mul3A = vector.broadcast %get3A_4 : vector<1x64xf32> to vector<6400x64xf32>
    %mul3A_5 = arith.mulf %slice3A, %mul3A : vector<6400x64xf32>
    %get3A_6 = arith.constant 0 : index
    %get3A_7 = arith.constant 0 : index
    %get3A_8 = vector.load %arg7[%get3A_6, %get3A_7] : memref<1x64xf32, #tpu.memory_space<vmem>>, vector<1x64xf32>
    %add3A = vector.broadcast %get3A_8 : vector<1x64xf32> to vector<6400x64xf32>
    %add3A_9 = arith.addf %mul3A_5, %add3A : vector<6400x64xf32>
    %ge3A = arith.constant 0.000000e+00 : f32
    %ge3A_10 = vector.broadcast %ge3A : f32 to vector<6400x64xf32>
    %ge3A_11 = arith.cmpf oge, %add3A_9, %ge3A_10 : vector<6400x64xf32>
    %mul3A_12 = arith.constant 1.000000e-01 : f32
    %mul3A_13 = vector.broadcast %mul3A_12 : f32 to vector<6400x64xf32>
    %mul3A_14 = arith.mulf %mul3A_13, %add3A_9 : vector<6400x64xf32>
    %select_n3A = arith.select %ge3A_11, %add3A_9, %mul3A_14 : vector<6400x64xi1>, vector<6400x64xf32>
    %convert_element_type3A = arith.truncf %select_n3A : vector<6400x64xf32> to vector<6400x64xbf16>
    %reduce_sum3A = arith.constant dense<0.000000e+00> : vector<6400xf32>
    %reduce_sum3A_15 = vector.multi_reduction <add>, %select_n3A, %reduce_sum3A [1] : vector<6400x64xf32> to vector<6400xf32>
    %broadcast_in_dim3A = vector.shape_cast %reduce_sum3A_15 : vector<6400xf32> to vector<6400x1xf32>
    %ne3A = arith.constant 0.000000e+00 : f32
    %ne3A_16 = vector.broadcast %ne3A : f32 to vector<6400x1xf32>
    %ne3A_17 = arith.cmpf one, %broadcast_in_dim3A, %ne3A_16 : vector<6400x1xf32>
    %convert_element_type3A_18 = arith.extui %ne3A_17 : vector<6400x1xi1> to vector<6400x1xi32>
    %convert_element_type3A_19 = arith.sitofp %convert_element_type3A_18 : vector<6400x1xi32> to vector<6400x1xf32>
    %reshape3A = vector.shape_cast %convert_element_type3A_19 : vector<6400x1xf32> to vector<200x32x1xf32>
    %reduce_sum3A_20 = arith.constant dense<0.000000e+00> : vector<200x1xf32>
    %reduce_sum3A_21 = vector.multi_reduction <add>, %reshape3A, %reduce_sum3A_20 [1] : vector<200x32x1xf32> to vector<200x1xf32>
    %max3A = arith.constant 1.000000e+00 : f32
    %max3A_22 = vector.broadcast %max3A : f32 to vector<200x1xf32>
    %max3A_23 = arith.maximumf %reduce_sum3A_21, %max3A_22 : vector<200x1xf32>
    %div3A = arith.constant 1.000000e+00 : f32
    %div3A_24 = vector.broadcast %div3A : f32 to vector<200x1xf32>
    %div3A_25 = arith.divf %div3A_24, %max3A_23 : vector<200x1xf32>
    %get3A_26 = arith.constant 0 : index
    %get3A_27 = arith.constant 0 : index
    %get3A_28 = vector.load %arg2[%get3A_26, %get3A_27] : memref<200x3xf32, #tpu.memory_space<vmem>>, vector<200x3xf32>
    %broadcast_in_dim3A_29 = vector.shape_cast %get3A_28 : vector<200x3xf32> to vector<200x1x3xf32>
    %broadcast_in_dim3A_30 = vector.shape_cast %broadcast_in_dim3A_29 : vector<200x1x3xf32> to vector<200x1x3xf32>
    %broadcast_in_dim3A_31 = vector.broadcast %broadcast_in_dim3A_30 : vector<200x1x3xf32> to vector<200x32x3xf32>
    %reshape3A_32 = vector.shape_cast %broadcast_in_dim3A_31 : vector<200x32x3xf32> to vector<6400x3xf32>
    %slice3A_33 = vector.extract_strided_slice %get3A_1 {offsets = [0, 64], sizes = [6400, 3], strides = [1, 1]} : vector<6400x128xf32> to vector<6400x3xf32>
    %sub3A = arith.subf %slice3A_33, %reshape3A_32 : vector<6400x3xf32>
    %get3A_34 = arith.constant 0 : index
    %get3A_35 = arith.constant 0 : index
    %get3A_36 = vector.load %arg3[%get3A_34, %get3A_35] : memref<3x16xf32, #tpu.memory_space<vmem>>, vector<3x16xf32>
    %slice3A_37 = vector.extract_strided_slice %sub3A {offsets = [0, 0], sizes = [6400, 1], strides = [1, 1]} : vector<6400x3xf32> to vector<6400x1xf32>
    %slice3A_38 = vector.extract_strided_slice %get3A_36 {offsets = [0, 0], sizes = [1, 16], strides = [1, 1]} : vector<3x16xf32> to vector<1x16xf32>
    %sub3A_39 = vector.broadcast %slice3A_37 : vector<6400x1xf32> to vector<6400x16xf32>
    %sub3A_40 = vector.broadcast %slice3A_38 : vector<1x16xf32> to vector<6400x16xf32>
    %sub3A_41 = arith.subf %sub3A_39, %sub3A_40 : vector<6400x16xf32>
    %slice3A_42 = vector.extract_strided_slice %sub3A {offsets = [0, 1], sizes = [6400, 1], strides = [1, 1]} : vector<6400x3xf32> to vector<6400x1xf32>
    %slice3A_43 = vector.extract_strided_slice %get3A_36 {offsets = [1, 0], sizes = [1, 16], strides = [1, 1]} : vector<3x16xf32> to vector<1x16xf32>
    %sub3A_44 = vector.broadcast %slice3A_42 : vector<6400x1xf32> to vector<6400x16xf32>
    %sub3A_45 = vector.broadcast %slice3A_43 : vector<1x16xf32> to vector<6400x16xf32>
    %sub3A_46 = arith.subf %sub3A_44, %sub3A_45 : vector<6400x16xf32>
    %slice3A_47 = vector.extract_strided_slice %sub3A {offsets = [0, 2], sizes = [6400, 1], strides = [1, 1]} : vector<6400x3xf32> to vector<6400x1xf32>
    %slice3A_48 = vector.extract_strided_slice %get3A_36 {offsets = [2, 0], sizes = [1, 16], strides = [1, 1]} : vector<3x16xf32> to vector<1x16xf32>
    %sub3A_49 = vector.broadcast %slice3A_47 : vector<6400x1xf32> to vector<6400x16xf32>
    %sub3A_50 = vector.broadcast %slice3A_48 : vector<1x16xf32> to vector<6400x16xf32>
    %sub3A_51 = arith.subf %sub3A_49, %sub3A_50 : vector<6400x16xf32>
    %mul3A_52 = arith.mulf %sub3A_41, %sub3A_41 : vector<6400x16xf32>
    %mul3A_53 = arith.mulf %sub3A_46, %sub3A_46 : vector<6400x16xf32>
    %add3A_54 = arith.addf %mul3A_52, %mul3A_53 : vector<6400x16xf32>
    %mul3A_55 = arith.mulf %sub3A_51, %sub3A_51 : vector<6400x16xf32>
    %add3A_56 = arith.addf %add3A_54, %mul3A_55 : vector<6400x16xf32>
    %sqrt3A = math.sqrt %add3A_56 : vector<6400x16xf32>
    %div3A_57 = arith.constant 2.000000e+00 : f32
    %div3A_58 = vector.broadcast %div3A_57 : f32 to vector<6400x16xf32>
    %div3A_59 = arith.divf %sqrt3A, %div3A_58 : vector<6400x16xf32>
    %sub3A_60 = arith.constant 1.000000e+00 : f32
    %sub3A_61 = vector.broadcast %sub3A_60 : f32 to vector<6400x16xf32>
    %sub3A_62 = arith.subf %sub3A_61, %div3A_59 : vector<6400x16xf32>
    %max3A_63 = arith.constant 0.000000e+00 : f32
    %max3A_64 = vector.broadcast %max3A_63 : f32 to vector<6400x16xf32>
    %max3A_65 = arith.maximumf %sub3A_62, %max3A_64 : vector<6400x16xf32>
    %concatenate3A = tpu.concatenate %convert_element_type3A, %convert_element_type3A in 1 : vector<6400x64xbf16>, vector<6400x64xbf16> -> vector<6400x128xbf16>
    %convert_element_type3A_66 = arith.truncf %max3A_65 : vector<6400x16xf32> to vector<6400x16xbf16>
    %slice3A_67 = vector.extract_strided_slice %convert_element_type3A_66 {offsets = [0, 0], sizes = [6400, 1], strides = [1, 1]} : vector<6400x16xbf16> to vector<6400x1xbf16>
    %broadcast_in_dim3A_68 = vector.shape_cast %slice3A_67 : vector<6400x1xbf16> to vector<6400x1xbf16>
    %broadcast_in_dim3A_69 = vector.broadcast %broadcast_in_dim3A_68 : vector<6400x1xbf16> to vector<6400x64xbf16>
    %slice3A_70 = vector.extract_strided_slice %convert_element_type3A_66 {offsets = [0, 1], sizes = [6400, 1], strides = [1, 1]} : vector<6400x16xbf16> to vector<6400x1xbf16>
    %broadcast_in_dim3A_71 = vector.shape_cast %slice3A_70 : vector<6400x1xbf16> to vector<6400x1xbf16>
    %broadcast_in_dim3A_72 = vector.broadcast %broadcast_in_dim3A_71 : vector<6400x1xbf16> to vector<6400x64xbf16>
    %concatenate3A_73 = tpu.concatenate %broadcast_in_dim3A_69, %broadcast_in_dim3A_72 in 1 : vector<6400x64xbf16>, vector<6400x64xbf16> -> vector<6400x128xbf16>
    %mul3A_74 = arith.mulf %concatenate3A_73, %concatenate3A : vector<6400x128xbf16>
    %reshape3A_75 = vector.shape_cast %mul3A_74 : vector<6400x128xbf16> to vector<200x32x128xbf16>
    %convert_element_type3A_76 = arith.extf %reshape3A_75 : vector<200x32x128xbf16> to vector<200x32x128xf32>
    %reduce_sum3A_77 = arith.constant dense<0.000000e+00> : vector<200x128xf32>
    %reduce_sum3A_78 = vector.multi_reduction <add>, %convert_element_type3A_76, %reduce_sum3A_77 [1] : vector<200x32x128xf32> to vector<200x128xf32>
    %convert_element_type3A_79 = arith.truncf %reduce_sum3A_78 : vector<200x128xf32> to vector<200x128xbf16>
    %convert_element_type3A_80 = arith.extf %convert_element_type3A_79 : vector<200x128xbf16> to vector<200x128xf32>
    %slice3A_81 = vector.extract_strided_slice %convert_element_type3A_66 {offsets = [0, 2], sizes = [6400, 1], strides = [1, 1]} : vector<6400x16xbf16> to vector<6400x1xbf16>
    %broadcast_in_dim3A_82 = vector.shape_cast %slice3A_81 : vector<6400x1xbf16> to vector<6400x1xbf16>
    %broadcast_in_dim3A_83 = vector.broadcast %broadcast_in_dim3A_82 : vector<6400x1xbf16> to vector<6400x64xbf16>
    %slice3A_84 = vector.extract_strided_slice %convert_element_type3A_66 {offsets = [0, 3], sizes = [6400, 1], strides = [1, 1]} : vector<6400x16xbf16> to vector<6400x1xbf16>
    %broadcast_in_dim3A_85 = vector.shape_cast %slice3A_84 : vector<6400x1xbf16> to vector<6400x1xbf16>
    %broadcast_in_dim3A_86 = vector.broadcast %broadcast_in_dim3A_85 : vector<6400x1xbf16> to vector<6400x64xbf16>
    %concatenate3A_87 = tpu.concatenate %broadcast_in_dim3A_83, %broadcast_in_dim3A_86 in 1 : vector<6400x64xbf16>, vector<6400x64xbf16> -> vector<6400x128xbf16>
    %mul3A_88 = arith.mulf %concatenate3A_87, %concatenate3A : vector<6400x128xbf16>
    %reshape3A_89 = vector.shape_cast %mul3A_88 : vector<6400x128xbf16> to vector<200x32x128xbf16>
    %convert_element_type3A_90 = arith.extf %reshape3A_89 : vector<200x32x128xbf16> to vector<200x32x128xf32>
    %reduce_sum3A_91 = arith.constant dense<0.000000e+00> : vector<200x128xf32>
    %reduce_sum3A_92 = vector.multi_reduction <add>, %convert_element_type3A_90, %reduce_sum3A_91 [1] : vector<200x32x128xf32> to vector<200x128xf32>
    %convert_element_type3A_93 = arith.truncf %reduce_sum3A_92 : vector<200x128xf32> to vector<200x128xbf16>
    %convert_element_type3A_94 = arith.extf %convert_element_type3A_93 : vector<200x128xbf16> to vector<200x128xf32>
    %slice3A_95 = vector.extract_strided_slice %convert_element_type3A_66 {offsets = [0, 4], sizes = [6400, 1], strides = [1, 1]} : vector<6400x16xbf16> to vector<6400x1xbf16>
    %broadcast_in_dim3A_96 = vector.shape_cast %slice3A_95 : vector<6400x1xbf16> to vector<6400x1xbf16>
    %broadcast_in_dim3A_97 = vector.broadcast %broadcast_in_dim3A_96 : vector<6400x1xbf16> to vector<6400x64xbf16>
    %slice3A_98 = vector.extract_strided_slice %convert_element_type3A_66 {offsets = [0, 5], sizes = [6400, 1], strides = [1, 1]} : vector<6400x16xbf16> to vector<6400x1xbf16>
    %broadcast_in_dim3A_99 = vector.shape_cast %slice3A_98 : vector<6400x1xbf16> to vector<6400x1xbf16>
    %broadcast_in_dim3A_100 = vector.broadcast %broadcast_in_dim3A_99 : vector<6400x1xbf16> to vector<6400x64xbf16>
    %concatenate3A_101 = tpu.concatenate %broadcast_in_dim3A_97, %broadcast_in_dim3A_100 in 1 : vector<6400x64xbf16>, vector<6400x64xbf16> -> vector<6400x128xbf16>
    %mul3A_102 = arith.mulf %concatenate3A_101, %concatenate3A : vector<6400x128xbf16>
    %reshape3A_103 = vector.shape_cast %mul3A_102 : vector<6400x128xbf16> to vector<200x32x128xbf16>
    %convert_element_type3A_104 = arith.extf %reshape3A_103 : vector<200x32x128xbf16> to vector<200x32x128xf32>
    %reduce_sum3A_105 = arith.constant dense<0.000000e+00> : vector<200x128xf32>
    %reduce_sum3A_106 = vector.multi_reduction <add>, %convert_element_type3A_104, %reduce_sum3A_105 [1] : vector<200x32x128xf32> to vector<200x128xf32>
    %convert_element_type3A_107 = arith.truncf %reduce_sum3A_106 : vector<200x128xf32> to vector<200x128xbf16>
    %convert_element_type3A_108 = arith.extf %convert_element_type3A_107 : vector<200x128xbf16> to vector<200x128xf32>
    %slice3A_109 = vector.extract_strided_slice %convert_element_type3A_66 {offsets = [0, 6], sizes = [6400, 1], strides = [1, 1]} : vector<6400x16xbf16> to vector<6400x1xbf16>
    %broadcast_in_dim3A_110 = vector.shape_cast %slice3A_109 : vector<6400x1xbf16> to vector<6400x1xbf16>
    %broadcast_in_dim3A_111 = vector.broadcast %broadcast_in_dim3A_110 : vector<6400x1xbf16> to vector<6400x64xbf16>
    %slice3A_112 = vector.extract_strided_slice %convert_element_type3A_66 {offsets = [0, 7], sizes = [6400, 1], strides = [1, 1]} : vector<6400x16xbf16> to vector<6400x1xbf16>
    %broadcast_in_dim3A_113 = vector.shape_cast %slice3A_112 : vector<6400x1xbf16> to vector<6400x1xbf16>
    %broadcast_in_dim3A_114 = vector.broadcast %broadcast_in_dim3A_113 : vector<6400x1xbf16> to vector<6400x64xbf16>
    %concatenate3A_115 = tpu.concatenate %broadcast_in_dim3A_111, %broadcast_in_dim3A_114 in 1 : vector<6400x64xbf16>, vector<6400x64xbf16> -> vector<6400x128xbf16>
    %mul3A_116 = arith.mulf %concatenate3A_115, %concatenate3A : vector<6400x128xbf16>
    %reshape3A_117 = vector.shape_cast %mul3A_116 : vector<6400x128xbf16> to vector<200x32x128xbf16>
    %convert_element_type3A_118 = arith.extf %reshape3A_117 : vector<200x32x128xbf16> to vector<200x32x128xf32>
    %reduce_sum3A_119 = arith.constant dense<0.000000e+00> : vector<200x128xf32>
    %reduce_sum3A_120 = vector.multi_reduction <add>, %convert_element_type3A_118, %reduce_sum3A_119 [1] : vector<200x32x128xf32> to vector<200x128xf32>
    %convert_element_type3A_121 = arith.truncf %reduce_sum3A_120 : vector<200x128xf32> to vector<200x128xbf16>
    %convert_element_type3A_122 = arith.extf %convert_element_type3A_121 : vector<200x128xbf16> to vector<200x128xf32>
    %slice3A_123 = vector.extract_strided_slice %convert_element_type3A_66 {offsets = [0, 8], sizes = [6400, 1], strides = [1, 1]} : vector<6400x16xbf16> to vector<6400x1xbf16>
    %broadcast_in_dim3A_124 = vector.shape_cast %slice3A_123 : vector<6400x1xbf16> to vector<6400x1xbf16>
    %broadcast_in_dim3A_125 = vector.broadcast %broadcast_in_dim3A_124 : vector<6400x1xbf16> to vector<6400x64xbf16>
    %slice3A_126 = vector.extract_strided_slice %convert_element_type3A_66 {offsets = [0, 9], sizes = [6400, 1], strides = [1, 1]} : vector<6400x16xbf16> to vector<6400x1xbf16>
    %broadcast_in_dim3A_127 = vector.shape_cast %slice3A_126 : vector<6400x1xbf16> to vector<6400x1xbf16>
    %broadcast_in_dim3A_128 = vector.broadcast %broadcast_in_dim3A_127 : vector<6400x1xbf16> to vector<6400x64xbf16>
    %concatenate3A_129 = tpu.concatenate %broadcast_in_dim3A_125, %broadcast_in_dim3A_128 in 1 : vector<6400x64xbf16>, vector<6400x64xbf16> -> vector<6400x128xbf16>
    %mul3A_130 = arith.mulf %concatenate3A_129, %concatenate3A : vector<6400x128xbf16>
    %reshape3A_131 = vector.shape_cast %mul3A_130 : vector<6400x128xbf16> to vector<200x32x128xbf16>
    %convert_element_type3A_132 = arith.extf %reshape3A_131 : vector<200x32x128xbf16> to vector<200x32x128xf32>
    %reduce_sum3A_133 = arith.constant dense<0.000000e+00> : vector<200x128xf32>
    %reduce_sum3A_134 = vector.multi_reduction <add>, %convert_element_type3A_132, %reduce_sum3A_133 [1] : vector<200x32x128xf32> to vector<200x128xf32>
    %convert_element_type3A_135 = arith.truncf %reduce_sum3A_134 : vector<200x128xf32> to vector<200x128xbf16>
    %convert_element_type3A_136 = arith.extf %convert_element_type3A_135 : vector<200x128xbf16> to vector<200x128xf32>
    %slice3A_137 = vector.extract_strided_slice %convert_element_type3A_66 {offsets = [0, 10], sizes = [6400, 1], strides = [1, 1]} : vector<6400x16xbf16> to vector<6400x1xbf16>
    %broadcast_in_dim3A_138 = vector.shape_cast %slice3A_137 : vector<6400x1xbf16> to vector<6400x1xbf16>
    %broadcast_in_dim3A_139 = vector.broadcast %broadcast_in_dim3A_138 : vector<6400x1xbf16> to vector<6400x64xbf16>
    %slice3A_140 = vector.extract_strided_slice %convert_element_type3A_66 {offsets = [0, 11], sizes = [6400, 1], strides = [1, 1]} : vector<6400x16xbf16> to vector<6400x1xbf16>
    %broadcast_in_dim3A_141 = vector.shape_cast %slice3A_140 : vector<6400x1xbf16> to vector<6400x1xbf16>
    %broadcast_in_dim3A_142 = vector.broadcast %broadcast_in_dim3A_141 : vector<6400x1xbf16> to vector<6400x64xbf16>
    %concatenate3A_143 = tpu.concatenate %broadcast_in_dim3A_139, %broadcast_in_dim3A_142 in 1 : vector<6400x64xbf16>, vector<6400x64xbf16> -> vector<6400x128xbf16>
    %mul3A_144 = arith.mulf %concatenate3A_143, %concatenate3A : vector<6400x128xbf16>
    %reshape3A_145 = vector.shape_cast %mul3A_144 : vector<6400x128xbf16> to vector<200x32x128xbf16>
    %convert_element_type3A_146 = arith.extf %reshape3A_145 : vector<200x32x128xbf16> to vector<200x32x128xf32>
    %reduce_sum3A_147 = arith.constant dense<0.000000e+00> : vector<200x128xf32>
    %reduce_sum3A_148 = vector.multi_reduction <add>, %convert_element_type3A_146, %reduce_sum3A_147 [1] : vector<200x32x128xf32> to vector<200x128xf32>
    %convert_element_type3A_149 = arith.truncf %reduce_sum3A_148 : vector<200x128xf32> to vector<200x128xbf16>
    %convert_element_type3A_150 = arith.extf %convert_element_type3A_149 : vector<200x128xbf16> to vector<200x128xf32>
    %slice3A_151 = vector.extract_strided_slice %convert_element_type3A_66 {offsets = [0, 12], sizes = [6400, 1], strides = [1, 1]} : vector<6400x16xbf16> to vector<6400x1xbf16>
    %broadcast_in_dim3A_152 = vector.shape_cast %slice3A_151 : vector<6400x1xbf16> to vector<6400x1xbf16>
    %broadcast_in_dim3A_153 = vector.broadcast %broadcast_in_dim3A_152 : vector<6400x1xbf16> to vector<6400x64xbf16>
    %slice3A_154 = vector.extract_strided_slice %convert_element_type3A_66 {offsets = [0, 13], sizes = [6400, 1], strides = [1, 1]} : vector<6400x16xbf16> to vector<6400x1xbf16>
    %broadcast_in_dim3A_155 = vector.shape_cast %slice3A_154 : vector<6400x1xbf16> to vector<6400x1xbf16>
    %broadcast_in_dim3A_156 = vector.broadcast %broadcast_in_dim3A_155 : vector<6400x1xbf16> to vector<6400x64xbf16>
    %concatenate3A_157 = tpu.concatenate %broadcast_in_dim3A_153, %broadcast_in_dim3A_156 in 1 : vector<6400x64xbf16>, vector<6400x64xbf16> -> vector<6400x128xbf16>
    %mul3A_158 = arith.mulf %concatenate3A_157, %concatenate3A : vector<6400x128xbf16>
    %reshape3A_159 = vector.shape_cast %mul3A_158 : vector<6400x128xbf16> to vector<200x32x128xbf16>
    %convert_element_type3A_160 = arith.extf %reshape3A_159 : vector<200x32x128xbf16> to vector<200x32x128xf32>
    %reduce_sum3A_161 = arith.constant dense<0.000000e+00> : vector<200x128xf32>
    %reduce_sum3A_162 = vector.multi_reduction <add>, %convert_element_type3A_160, %reduce_sum3A_161 [1] : vector<200x32x128xf32> to vector<200x128xf32>
    %convert_element_type3A_163 = arith.truncf %reduce_sum3A_162 : vector<200x128xf32> to vector<200x128xbf16>
    %convert_element_type3A_164 = arith.extf %convert_element_type3A_163 : vector<200x128xbf16> to vector<200x128xf32>
    %slice3A_165 = vector.extract_strided_slice %convert_element_type3A_66 {offsets = [0, 14], sizes = [6400, 1], strides = [1, 1]} : vector<6400x16xbf16> to vector<6400x1xbf16>
    %broadcast_in_dim3A_166 = vector.shape_cast %slice3A_165 : vector<6400x1xbf16> to vector<6400x1xbf16>
    %broadcast_in_dim3A_167 = vector.broadcast %broadcast_in_dim3A_166 : vector<6400x1xbf16> to vector<6400x64xbf16>
    %slice3A_168 = vector.extract_strided_slice %convert_element_type3A_66 {offsets = [0, 15], sizes = [6400, 1], strides = [1, 1]} : vector<6400x16xbf16> to vector<6400x1xbf16>
    %broadcast_in_dim3A_169 = vector.shape_cast %slice3A_168 : vector<6400x1xbf16> to vector<6400x1xbf16>
    %broadcast_in_dim3A_170 = vector.broadcast %broadcast_in_dim3A_169 : vector<6400x1xbf16> to vector<6400x64xbf16>
    %concatenate3A_171 = tpu.concatenate %broadcast_in_dim3A_167, %broadcast_in_dim3A_170 in 1 : vector<6400x64xbf16>, vector<6400x64xbf16> -> vector<6400x128xbf16>
    %mul3A_172 = arith.mulf %concatenate3A_171, %concatenate3A : vector<6400x128xbf16>
    %reshape3A_173 = vector.shape_cast %mul3A_172 : vector<6400x128xbf16> to vector<200x32x128xbf16>
    %convert_element_type3A_174 = arith.extf %reshape3A_173 : vector<200x32x128xbf16> to vector<200x32x128xf32>
    %reduce_sum3A_175 = arith.constant dense<0.000000e+00> : vector<200x128xf32>
    %reduce_sum3A_176 = vector.multi_reduction <add>, %convert_element_type3A_174, %reduce_sum3A_175 [1] : vector<200x32x128xf32> to vector<200x128xf32>
    %convert_element_type3A_177 = arith.truncf %reduce_sum3A_176 : vector<200x128xf32> to vector<200x128xbf16>
    %convert_element_type3A_178 = arith.extf %convert_element_type3A_177 : vector<200x128xbf16> to vector<200x128xf32>
    %concatenate3A_179 = tpu.concatenate %convert_element_type3A_80, %convert_element_type3A_94, %convert_element_type3A_108, %convert_element_type3A_122, %convert_element_type3A_136, %convert_element_type3A_150, %convert_element_type3A_164, %convert_element_type3A_178 in 1 : vector<200x128xf32>, vector<200x128xf32>, vector<200x128xf32>, vector<200x128xf32>, vector<200x128xf32>, vector<200x128xf32>, vector<200x128xf32>, vector<200x128xf32> -> vector<200x1024xf32>
    %get3A_180 = arith.constant 0 : index
    %get3A_181 = arith.constant 0 : index
    %get3A_182 = vector.load %arg4[%get3A_180, %get3A_181] : memref<1024x64xf32, #tpu.memory_space<vmem>>, vector<1024x64xf32>
    %dot_general3A = arith.constant dense<0.000000e+00> : vector<200x64xf32>
    %dot_general3A_183 = tpu.matmul %concatenate3A_179, %get3A_182, %dot_general3A {dimension_numbers = #tpu.dot_dimension_numbers<[1], [0], [0], [1], [0, 0, 1, 1], [], []>, transpose_lhs_hint = false} : vector<200x1024xf32>, vector<1024x64xf32>, vector<200x64xf32> -> vector<200x64xf32>
    %mul3A_184 = vector.broadcast %div3A_25 : vector<200x1xf32> to vector<200x64xf32>
    %mul3A_185 = arith.mulf %dot_general3A_183, %mul3A_184 : vector<200x64xf32>
    %get3A_186 = arith.constant 0 : index
    %get3A_187 = arith.constant 0 : index
    %get3A_188 = vector.load %arg5[%get3A_186, %get3A_187] : memref<1x64xf32, #tpu.memory_space<vmem>>, vector<1x64xf32>
    %add3A_189 = vector.broadcast %get3A_188 : vector<1x64xf32> to vector<200x64xf32>
    %add3A_190 = arith.addf %mul3A_185, %add3A_189 : vector<200x64xf32>
    %swap3A = arith.constant 0 : index
    %swap3A_191 = arith.constant 0 : index
    %swap3A_192 = vector.load %arg8[%swap3A, %swap3A_191] : memref<200x64xf32, #tpu.memory_space<vmem>>, vector<200x64xf32>
    tpu.vector_store %arg8[%swap3A, %swap3A_191], %add3A_190 {strides = array<i32>} : memref<200x64xf32, #tpu.memory_space<vmem>>, vector<200x64xf32>,
    %eq3A = arith.constant 0 : i32
    %eq3A_193 = arith.cmpi eq, %arg0, %eq3A : i32
    %convert_element_type3A_194 = arith.extui %eq3A_193 : i1 to i32
    %cond3A = arith.constant 0 : i32
    %cond3A_195 = arith.cmpi ne, %convert_element_type3A_194, %cond3A : i32
    scf.if %cond3A_195 {
      %broadcast_in_dim3A_217 = arith.constant 0.000000e+00 : f32
      %broadcast_in_dim3A_218 = vector.broadcast %broadcast_in_dim3A_217 : f32 to vector<8x64xf32>
      %swap3A_219 = arith.constant 0 : index
      %swap3A_220 = arith.constant 0 : index
      %swap3A_221 = vector.load %arg9[%swap3A_219, %swap3A_220] : memref<8x64xf32, #tpu.memory_space<vmem>>, vector<8x64xf32>
      tpu.vector_store %arg9[%swap3A_219, %swap3A_220], %broadcast_in_dim3A_218 {strides = array<i32>} : memref<8x64xf32, #tpu.memory_space<vmem>>, vector<8x64xf32>,
    } else {
    }
    %get3A_196 = arith.constant 0 : index
    %get3A_197 = arith.constant 0 : index
    %get3A_198 = vector.load %arg9[%get3A_196, %get3A_197] : memref<8x64xf32, #tpu.memory_space<vmem>>, vector<1x64xf32>
    %reduce_sum3A_199 = arith.constant dense<0.000000e+00> : vector<64xf32>
    %reduce_sum3A_200 = vector.multi_reduction <add>, %add3A_190, %reduce_sum3A_199 [0] : vector<200x64xf32> to vector<64xf32>
    %broadcast_in_dim3A_201 = vector.shape_cast %reduce_sum3A_200 : vector<64xf32> to vector<1x64xf32>
    %add3A_202 = arith.addf %get3A_198, %broadcast_in_dim3A_201 : vector<1x64xf32>
    %swap3A_203 = arith.constant 0 : index
    %swap3A_204 = arith.constant 0 : index
    %swap3A_205 = vector.load %arg9[%swap3A_203, %swap3A_204] : memref<8x64xf32, #tpu.memory_space<vmem>>, vector<1x64xf32>
    tpu.vector_store %arg9[%swap3A_203, %swap3A_204], %add3A_202 {strides = array<i32>} : memref<8x64xf32, #tpu.memory_space<vmem>>, vector<1x64xf32>,
    %get3A_206 = arith.constant 1 : index
    %get3A_207 = arith.constant 0 : index
    %get3A_208 = vector.load %arg9[%get3A_206, %get3A_207] : memref<8x64xf32, #tpu.memory_space<vmem>>, vector<1x64xf32>
    %mul3A_209 = arith.mulf %add3A_190, %add3A_190 : vector<200x64xf32>
    %reduce_sum3A_210 = arith.constant dense<0.000000e+00> : vector<64xf32>
    %reduce_sum3A_211 = vector.multi_reduction <add>, %mul3A_209, %reduce_sum3A_210 [0] : vector<200x64xf32> to vector<64xf32>
    %broadcast_in_dim3A_212 = vector.shape_cast %reduce_sum3A_211 : vector<64xf32> to vector<1x64xf32>
    %add3A_213 = arith.addf %get3A_208, %broadcast_in_dim3A_212 : vector<1x64xf32>
    %swap3A_214 = arith.constant 1 : index
    %swap3A_215 = arith.constant 0 : index
    %swap3A_216 = vector.load %arg9[%swap3A_214, %swap3A_215] : memref<8x64xf32, #tpu.memory_space<vmem>>, vector<1x64xf32>
    tpu.vector_store %arg9[%swap3A_214, %swap3A_215], %add3A_213 {strides = array<i32>} : memref<8x64xf32, #tpu.memory_space<vmem>>, vector<1x64xf32>,
    return
  }
  func.func @transform_0(%arg0: i32) -> (i32, i32) {
    %c0_i32 = arith.constant 0 : i32
    %c0_i32_0 = arith.constant 0 : i32
    return %arg0, %c0_i32 : i32, i32
  }
  func.func @transform_1(%arg0: i32) -> (i32, i32) {
    %c0_i32 = arith.constant 0 : i32
    %c0_i32_0 = arith.constant 0 : i32
    return %arg0, %c0_i32 : i32, i32
  }
  func.func @transform_2(%arg0: i32) -> (i32, i32) {
    %c0_i32 = arith.constant 0 : i32
    %c0_i32_0 = arith.constant 0 : i32
    %c0_i32_1 = arith.constant 0 : i32
    return %c0_i32, %c0_i32_0 : i32, i32
  }
  func.func @transform_3(%arg0: i32) -> (i32, i32) {
    %c0_i32 = arith.constant 0 : i32
    %c0_i32_0 = arith.constant 0 : i32
    %c0_i32_1 = arith.constant 0 : i32
    return %c0_i32, %c0_i32_0 : i32, i32
  }
  func.func @transform_4(%arg0: i32) -> (i32, i32) {
    %c0_i32 = arith.constant 0 : i32
    %c0_i32_0 = arith.constant 0 : i32
    %c0_i32_1 = arith.constant 0 : i32
    return %c0_i32, %c0_i32_0 : i32, i32
  }
  func.func @transform_5(%arg0: i32) -> (i32, i32) {
    %c0_i32 = arith.constant 0 : i32
    %c0_i32_0 = arith.constant 0 : i32
    %c0_i32_1 = arith.constant 0 : i32
    return %c0_i32, %c0_i32_0 : i32, i32
  }
  func.func @transform_6(%arg0: i32) -> (i32, i32) {
    %c0_i32 = arith.constant 0 : i32
    %c0_i32_0 = arith.constant 0 : i32
    %c0_i32_1 = arith.constant 0 : i32
    return %c0_i32, %c0_i32_0 : i32, i32
  }
  func.func @transform_7(%arg0: i32) -> (i32, i32) {
    %c0_i32 = arith.constant 0 : i32
    %c0_i32_0 = arith.constant 0 : i32
    return %arg0, %c0_i32 : i32, i32
  }
  func.func @transform_8(%arg0: i32) -> (i32, i32) {
    %c0_i32 = arith.constant 0 : i32
    %c0_i32_0 = arith.constant 0 : i32
    %c0_i32_1 = arith.constant 0 : i32
    return %c0_i32, %c0_i32_0 : i32, i32
  }
}

module attributes {stable_mosaic.version = 14 : i64} {
  func.func @_k4a_body(%arg0: i32, %arg1: memref<1000x64xf32, #tpu.memory_space<vmem>>, %arg2: memref<1x64xf32, #tpu.memory_space<vmem>>, %arg3: memref<1x64xf32, #tpu.memory_space<vmem>>, %arg4: memref<64x256xf32, #tpu.memory_space<vmem>>, %arg5: memref<1x256xf32, #tpu.memory_space<vmem>>, %arg6: memref<1000x256xf32, #tpu.memory_space<vmem>>, %arg7: memref<8x256xf32, #tpu.memory_space<vmem>>) attributes {dimension_semantics = [#tpu.dimension_semantics<arbitrary>], iteration_bounds = array<i64: 10>, scalar_prefetch = 0 : i64, scratch_operands = 0 : i64, tpu.core_type = #tpu.core_type<tc>, window_params = [{transform_indices = @transform_0, window_bounds = array<i64: 1000, 64>}, {pipeline_mode = #tpu.pipeline_mode<synchronous>, transform_indices = @transform_1, window_bounds = array<i64: 1, 64>}, {pipeline_mode = #tpu.pipeline_mode<synchronous>, transform_indices = @transform_2, window_bounds = array<i64: 1, 64>}, {pipeline_mode = #tpu.pipeline_mode<synchronous>, transform_indices = @transform_3, window_bounds = array<i64: 64, 256>}, {pipeline_mode = #tpu.pipeline_mode<synchronous>, transform_indices = @transform_4, window_bounds = array<i64: 1, 256>}, {transform_indices = @transform_5, window_bounds = array<i64: 1000, 256>}, {pipeline_mode = #tpu.pipeline_mode<synchronous>, transform_indices = @transform_6, window_bounds = array<i64: 8, 256>}]} {
    %get3A = arith.constant 0 : index
    %get3A_0 = arith.constant 0 : index
    %get3A_1 = vector.load %arg1[%get3A, %get3A_0] : memref<1000x64xf32, #tpu.memory_space<vmem>>, vector<1000x64xf32>
    %get3A_2 = arith.constant 0 : index
    %get3A_3 = arith.constant 0 : index
    %get3A_4 = vector.load %arg2[%get3A_2, %get3A_3] : memref<1x64xf32, #tpu.memory_space<vmem>>, vector<1x64xf32>
    %mul3A = vector.broadcast %get3A_4 : vector<1x64xf32> to vector<1000x64xf32>
    %mul3A_5 = arith.mulf %get3A_1, %mul3A : vector<1000x64xf32>
    %get3A_6 = arith.constant 0 : index
    %get3A_7 = arith.constant 0 : index
    %get3A_8 = vector.load %arg3[%get3A_6, %get3A_7] : memref<1x64xf32, #tpu.memory_space<vmem>>, vector<1x64xf32>
    %add3A = vector.broadcast %get3A_8 : vector<1x64xf32> to vector<1000x64xf32>
    %add3A_9 = arith.addf %mul3A_5, %add3A : vector<1000x64xf32>
    %ge3A = arith.constant 0.000000e+00 : f32
    %ge3A_10 = vector.broadcast %ge3A : f32 to vector<1000x64xf32>
    %ge3A_11 = arith.cmpf oge, %add3A_9, %ge3A_10 : vector<1000x64xf32>
    %mul3A_12 = arith.constant 1.000000e-01 : f32
    %mul3A_13 = vector.broadcast %mul3A_12 : f32 to vector<1000x64xf32>
    %mul3A_14 = arith.mulf %mul3A_13, %add3A_9 : vector<1000x64xf32>
    %select_n3A = arith.select %ge3A_11, %add3A_9, %mul3A_14 : vector<1000x64xi1>, vector<1000x64xf32>
    %get3A_15 = arith.constant 0 : index
    %get3A_16 = arith.constant 0 : index
    %get3A_17 = vector.load %arg4[%get3A_15, %get3A_16] : memref<64x256xf32, #tpu.memory_space<vmem>>, vector<64x256xf32>
    %dot_general3A = arith.constant dense<0.000000e+00> : vector<1000x256xf32>
    %dot_general3A_18 = tpu.matmul %select_n3A, %get3A_17, %dot_general3A {dimension_numbers = #tpu.dot_dimension_numbers<[1], [0], [0], [1], [0, 0, 1, 1], [], []>, transpose_lhs_hint = false} : vector<1000x64xf32>, vector<64x256xf32>, vector<1000x256xf32> -> vector<1000x256xf32>
    %get3A_19 = arith.constant 0 : index
    %get3A_20 = arith.constant 0 : index
    %get3A_21 = vector.load %arg5[%get3A_19, %get3A_20] : memref<1x256xf32, #tpu.memory_space<vmem>>, vector<1x256xf32>
    %add3A_22 = vector.broadcast %get3A_21 : vector<1x256xf32> to vector<1000x256xf32>
    %add3A_23 = arith.addf %dot_general3A_18, %add3A_22 : vector<1000x256xf32>
    %swap3A = arith.constant 0 : index
    %swap3A_24 = arith.constant 0 : index
    %swap3A_25 = vector.load %arg6[%swap3A, %swap3A_24] : memref<1000x256xf32, #tpu.memory_space<vmem>>, vector<1000x256xf32>
    tpu.vector_store %arg6[%swap3A, %swap3A_24], %add3A_23 {strides = array<i32>} : memref<1000x256xf32, #tpu.memory_space<vmem>>, vector<1000x256xf32>,
    %eq3A = arith.constant 0 : i32
    %eq3A_26 = arith.cmpi eq, %arg0, %eq3A : i32
    %convert_element_type3A = arith.extui %eq3A_26 : i1 to i32
    %cond3A = arith.constant 0 : i32
    %cond3A_27 = arith.cmpi ne, %convert_element_type3A, %cond3A : i32
    scf.if %cond3A_27 {
      %broadcast_in_dim3A_47 = arith.constant 0.000000e+00 : f32
      %broadcast_in_dim3A_48 = vector.broadcast %broadcast_in_dim3A_47 : f32 to vector<8x256xf32>
      %swap3A_49 = arith.constant 0 : index
      %swap3A_50 = arith.constant 0 : index
      %swap3A_51 = vector.load %arg7[%swap3A_49, %swap3A_50] : memref<8x256xf32, #tpu.memory_space<vmem>>, vector<8x256xf32>
      tpu.vector_store %arg7[%swap3A_49, %swap3A_50], %broadcast_in_dim3A_48 {strides = array<i32>} : memref<8x256xf32, #tpu.memory_space<vmem>>, vector<8x256xf32>,
    } else {
    }
    %get3A_28 = arith.constant 0 : index
    %get3A_29 = arith.constant 0 : index
    %get3A_30 = vector.load %arg7[%get3A_28, %get3A_29] : memref<8x256xf32, #tpu.memory_space<vmem>>, vector<1x256xf32>
    %reduce_sum3A = arith.constant dense<0.000000e+00> : vector<256xf32>
    %reduce_sum3A_31 = vector.multi_reduction <add>, %add3A_23, %reduce_sum3A [0] : vector<1000x256xf32> to vector<256xf32>
    %broadcast_in_dim3A = vector.shape_cast %reduce_sum3A_31 : vector<256xf32> to vector<1x256xf32>
    %add3A_32 = arith.addf %get3A_30, %broadcast_in_dim3A : vector<1x256xf32>
    %swap3A_33 = arith.constant 0 : index
    %swap3A_34 = arith.constant 0 : index
    %swap3A_35 = vector.load %arg7[%swap3A_33, %swap3A_34] : memref<8x256xf32, #tpu.memory_space<vmem>>, vector<1x256xf32>
    tpu.vector_store %arg7[%swap3A_33, %swap3A_34], %add3A_32 {strides = array<i32>} : memref<8x256xf32, #tpu.memory_space<vmem>>, vector<1x256xf32>,
    %get3A_36 = arith.constant 1 : index
    %get3A_37 = arith.constant 0 : index
    %get3A_38 = vector.load %arg7[%get3A_36, %get3A_37] : memref<8x256xf32, #tpu.memory_space<vmem>>, vector<1x256xf32>
    %mul3A_39 = arith.mulf %add3A_23, %add3A_23 : vector<1000x256xf32>
    %reduce_sum3A_40 = arith.constant dense<0.000000e+00> : vector<256xf32>
    %reduce_sum3A_41 = vector.multi_reduction <add>, %mul3A_39, %reduce_sum3A_40 [0] : vector<1000x256xf32> to vector<256xf32>
    %broadcast_in_dim3A_42 = vector.shape_cast %reduce_sum3A_41 : vector<256xf32> to vector<1x256xf32>
    %add3A_43 = arith.addf %get3A_38, %broadcast_in_dim3A_42 : vector<1x256xf32>
    %swap3A_44 = arith.constant 1 : index
    %swap3A_45 = arith.constant 0 : index
    %swap3A_46 = vector.load %arg7[%swap3A_44, %swap3A_45] : memref<8x256xf32, #tpu.memory_space<vmem>>, vector<1x256xf32>
    tpu.vector_store %arg7[%swap3A_44, %swap3A_45], %add3A_43 {strides = array<i32>} : memref<8x256xf32, #tpu.memory_space<vmem>>, vector<1x256xf32>,
    return
  }
  func.func @transform_0(%arg0: i32) -> (i32, i32) {
    %c0_i32 = arith.constant 0 : i32
    %c0_i32_0 = arith.constant 0 : i32
    return %arg0, %c0_i32 : i32, i32
  }
  func.func @transform_1(%arg0: i32) -> (i32, i32) {
    %c0_i32 = arith.constant 0 : i32
    %c0_i32_0 = arith.constant 0 : i32
    %c0_i32_1 = arith.constant 0 : i32
    return %c0_i32, %c0_i32_0 : i32, i32
  }
  func.func @transform_2(%arg0: i32) -> (i32, i32) {
    %c0_i32 = arith.constant 0 : i32
    %c0_i32_0 = arith.constant 0 : i32
    %c0_i32_1 = arith.constant 0 : i32
    return %c0_i32, %c0_i32_0 : i32, i32
  }
  func.func @transform_3(%arg0: i32) -> (i32, i32) {
    %c0_i32 = arith.constant 0 : i32
    %c0_i32_0 = arith.constant 0 : i32
    %c0_i32_1 = arith.constant 0 : i32
    return %c0_i32, %c0_i32_0 : i32, i32
  }
  func.func @transform_4(%arg0: i32) -> (i32, i32) {
    %c0_i32 = arith.constant 0 : i32
    %c0_i32_0 = arith.constant 0 : i32
    %c0_i32_1 = arith.constant 0 : i32
    return %c0_i32, %c0_i32_0 : i32, i32
  }
  func.func @transform_5(%arg0: i32) -> (i32, i32) {
    %c0_i32 = arith.constant 0 : i32
    %c0_i32_0 = arith.constant 0 : i32
    return %arg0, %c0_i32 : i32, i32
  }
  func.func @transform_6(%arg0: i32) -> (i32, i32) {
    %c0_i32 = arith.constant 0 : i32
    %c0_i32_0 = arith.constant 0 : i32
    %c0_i32_1 = arith.constant 0 : i32
    return %c0_i32, %c0_i32_0 : i32, i32
  }
}

module attributes {stable_mosaic.version = 14 : i64} {
  func.func @_k4b_body(%arg0: i32, %arg1: memref<1000x256xf32, #tpu.memory_space<vmem>>, %arg2: memref<1000x256xf32, #tpu.memory_space<vmem>>, %arg3: memref<1x256xf32, #tpu.memory_space<vmem>>, %arg4: memref<1x256xf32, #tpu.memory_space<vmem>>, %arg5: memref<1x256xf32, #tpu.memory_space<vmem>>, %arg6: memref<1x256xf32, #tpu.memory_space<vmem>>, %arg7: memref<1000x256xf32, #tpu.memory_space<vmem>>) attributes {dimension_semantics = [#tpu.dimension_semantics<arbitrary>], iteration_bounds = array<i64: 10>, scalar_prefetch = 0 : i64, scratch_operands = 0 : i64, tpu.core_type = #tpu.core_type<tc>, window_params = [{transform_indices = @transform_0, window_bounds = array<i64: 1000, 256>}, {transform_indices = @transform_1, window_bounds = array<i64: 1000, 256>}, {pipeline_mode = #tpu.pipeline_mode<synchronous>, transform_indices = @transform_2, window_bounds = array<i64: 1, 256>}, {pipeline_mode = #tpu.pipeline_mode<synchronous>, transform_indices = @transform_3, window_bounds = array<i64: 1, 256>}, {pipeline_mode = #tpu.pipeline_mode<synchronous>, transform_indices = @transform_4, window_bounds = array<i64: 1, 256>}, {pipeline_mode = #tpu.pipeline_mode<synchronous>, transform_indices = @transform_5, window_bounds = array<i64: 1, 256>}, {transform_indices = @transform_6, window_bounds = array<i64: 1000, 256>}]} {
    %get3A = arith.constant 0 : index
    %get3A_0 = arith.constant 0 : index
    %get3A_1 = vector.load %arg1[%get3A, %get3A_0] : memref<1000x256xf32, #tpu.memory_space<vmem>>, vector<1000x256xf32>
    %get3A_2 = arith.constant 0 : index
    %get3A_3 = arith.constant 0 : index
    %get3A_4 = vector.load %arg3[%get3A_2, %get3A_3] : memref<1x256xf32, #tpu.memory_space<vmem>>, vector<1x256xf32>
    %mul3A = vector.broadcast %get3A_4 : vector<1x256xf32> to vector<1000x256xf32>
    %mul3A_5 = arith.mulf %get3A_1, %mul3A : vector<1000x256xf32>
    %get3A_6 = arith.constant 0 : index
    %get3A_7 = arith.constant 0 : index
    %get3A_8 = vector.load %arg4[%get3A_6, %get3A_7] : memref<1x256xf32, #tpu.memory_space<vmem>>, vector<1x256xf32>
    %add3A = vector.broadcast %get3A_8 : vector<1x256xf32> to vector<1000x256xf32>
    %add3A_9 = arith.addf %mul3A_5, %add3A : vector<1000x256xf32>
    %get3A_10 = arith.constant 0 : index
    %get3A_11 = arith.constant 0 : index
    %get3A_12 = vector.load %arg2[%get3A_10, %get3A_11] : memref<1000x256xf32, #tpu.memory_space<vmem>>, vector<1000x256xf32>
    %get3A_13 = arith.constant 0 : index
    %get3A_14 = arith.constant 0 : index
    %get3A_15 = vector.load %arg5[%get3A_13, %get3A_14] : memref<1x256xf32, #tpu.memory_space<vmem>>, vector<1x256xf32>
    %mul3A_16 = vector.broadcast %get3A_15 : vector<1x256xf32> to vector<1000x256xf32>
    %mul3A_17 = arith.mulf %get3A_12, %mul3A_16 : vector<1000x256xf32>
    %add3A_18 = arith.addf %add3A_9, %mul3A_17 : vector<1000x256xf32>
    %get3A_19 = arith.constant 0 : index
    %get3A_20 = arith.constant 0 : index
    %get3A_21 = vector.load %arg6[%get3A_19, %get3A_20] : memref<1x256xf32, #tpu.memory_space<vmem>>, vector<1x256xf32>
    %add3A_22 = vector.broadcast %get3A_21 : vector<1x256xf32> to vector<1000x256xf32>
    %add3A_23 = arith.addf %add3A_18, %add3A_22 : vector<1000x256xf32>
    %ge3A = arith.constant 0.000000e+00 : f32
    %ge3A_24 = vector.broadcast %ge3A : f32 to vector<1000x256xf32>
    %ge3A_25 = arith.cmpf oge, %add3A_23, %ge3A_24 : vector<1000x256xf32>
    %mul3A_26 = arith.constant 1.000000e-01 : f32
    %mul3A_27 = vector.broadcast %mul3A_26 : f32 to vector<1000x256xf32>
    %mul3A_28 = arith.mulf %mul3A_27, %add3A_23 : vector<1000x256xf32>
    %select_n3A = arith.select %ge3A_25, %add3A_23, %mul3A_28 : vector<1000x256xi1>, vector<1000x256xf32>
    %swap3A = arith.constant 0 : index
    %swap3A_29 = arith.constant 0 : index
    %swap3A_30 = vector.load %arg7[%swap3A, %swap3A_29] : memref<1000x256xf32, #tpu.memory_space<vmem>>, vector<1000x256xf32>
    tpu.vector_store %arg7[%swap3A, %swap3A_29], %select_n3A {strides = array<i32>} : memref<1000x256xf32, #tpu.memory_space<vmem>>, vector<1000x256xf32>,
    return
  }
  func.func @transform_0(%arg0: i32) -> (i32, i32) {
    %c0_i32 = arith.constant 0 : i32
    %c0_i32_0 = arith.constant 0 : i32
    return %arg0, %c0_i32 : i32, i32
  }
  func.func @transform_1(%arg0: i32) -> (i32, i32) {
    %c0_i32 = arith.constant 0 : i32
    %c0_i32_0 = arith.constant 0 : i32
    return %arg0, %c0_i32 : i32, i32
  }
  func.func @transform_2(%arg0: i32) -> (i32, i32) {
    %c0_i32 = arith.constant 0 : i32
    %c0_i32_0 = arith.constant 0 : i32
    %c0_i32_1 = arith.constant 0 : i32
    return %c0_i32, %c0_i32_0 : i32, i32
  }
  func.func @transform_3(%arg0: i32) -> (i32, i32) {
    %c0_i32 = arith.constant 0 : i32
    %c0_i32_0 = arith.constant 0 : i32
    %c0_i32_1 = arith.constant 0 : i32
    return %c0_i32, %c0_i32_0 : i32, i32
  }
  func.func @transform_4(%arg0: i32) -> (i32, i32) {
    %c0_i32 = arith.constant 0 : i32
    %c0_i32_0 = arith.constant 0 : i32
    %c0_i32_1 = arith.constant 0 : i32
    return %c0_i32, %c0_i32_0 : i32, i32
  }
  func.func @transform_5(%arg0: i32) -> (i32, i32) {
    %c0_i32 = arith.constant 0 : i32
    %c0_i32_0 = arith.constant 0 : i32
    %c0_i32_1 = arith.constant 0 : i32
    return %c0_i32, %c0_i32_0 : i32, i32
  }
  func.func @transform_6(%arg0: i32) -> (i32, i32) {
    %c0_i32 = arith.constant 0 : i32
    %c0_i32_0 = arith.constant 0 : i32
    return %arg0, %c0_i32 : i32, i32
  }
}

</mosaic_0001>

<sc_bundles>
// kernel: kernel.12.cloned.1.call-start
scs
__scs_entry_jumppad:
0x0: {  	(pc) =	sbr.rel $0x88, $3  }
0x1: {  	(tag) =	ssettag $0x0;
	lr =	simm.s32 $0x1  }
0x2: {  	[smem:$0x3F8C] =	sst lr;
	_ =	strace $0xD0000000  }
0x3: {  	_ = 	snop  }
0x4: {  	_ = 	snop  }
0x5: {  	_ = 	snop  }
0x6: {  	_ = 	snop  }
0x7: {  	_ = 	snop  }
__scs_overlays_trampoline_lowered:
0x8: {  	[smem:$0x3F9B] =	sst s0  }
0x9: {  	[smem:$0x3F9C] =	sst s1  }
0xa: {  	[smem:$0x3F9D] =	sst s2  }
0xb: {  	[smem:$0x3F9E] =	sst s3  }
0xc: {  	[smem:$0x3F9F] =	sst s4  }
0xd: {  	[smem:$0x3FA0] =	sst s5  }
0xe: {  	[smem:$0x3FA1] =	sst s6  }
0xf: {  	[smem:$0x3FA2] =	sst s7  }
0x10: {  	[smem:$0x3FA3] =	sst s8  }
0x11: {  	[smem:$0x3FA4] =	sst s9;
	s0 =	simm.s32 @!p0 $0x0  }
0x12: {  	s1 =	sld [smem:$0x3F8A];
	s0 =	simm.s32 @p0 $0x1  }
0x13: {  	[smem:$0x3FA5] =	sst s0;
	s0 =	simm.s32 @!p1 $0x0  }
0x14: {  	s2 =	sld [smem:$0x3F89];
	s0 =	simm.s32 @p1 $0x1  }
0x15: {  	[smem:$0x3FA6] =	sst s0;
	s0 =	simm.s32 @!p2 $0x0  }
0x16: {  	s3 =	sld [smem:$0x3FDB];
	s0 =	simm.s32 @p2 $0x1  }
0x17: {  	s4 =	simm.s32 $0x1BF5;
	[smem:$0x3FA8] =	sst s0  }
0x18: {  	s0 =	sld [smem:$0x3F8B];
	_ =	swait.ge [sflag:s4], $0x0  }
0x19: {  	s7 =	sld [smem:$0x3F8C]  }
0x1a: {  	s8 =	sadd.s32 $0xFFFFE003, lr  }
0x1b: {  	s9 =	sadd.s32 $0xFFFFFEF7, lr;
	s5 =	simm.s32 $0xFFFFFFFF;
	p2 =	slt.u32 s8, $0xFFFFF086  }
0x1c: {  	p1 =	slt.u32 s9, $0xF7A;
	s5 =	simm.s32 @!p2 $0x0  }
0x1d: {  	s5 =	simm.s32 @p1 $0x1;
	p0 =	seq.s32 s7, s2  }
0x1e: {  	s7 =	smul.u32 @!p0 $0xF7A, s2;
	p2 =	seq.s32 @!p0 s5, $0x0  }
0x1f: {  	s9 =	smul.u32 $0xF7A, s1;
	s8 =	simm.s32 @!p0 $0x1BF5;
	p2 =	por !p2, p0  }
0x20: {  	[sflag:s8] =	ssyncset.s32 @!p0 $0xFFFFF086;
	s6 =	sadd.s32 @!p0 s3, s7;
	s7 =	simm.s32 @!p0 $0x108  }
0x21: {  	s3 =	sadd.s32 s3, s9;
	s6 =	sadd.s32 @!p0 $0x88, s6;
	s7 =	simm.s32 @p2 $0x1082  }
0x22: {  	[simem:s7], [sflag:s8] =	dma.local @!p0 [hbm:s6], $0xF7A  }
0x23: {  	s9 =	sor.u32 $0xD0000000, s2;
	s6 =	simm.s32 $0x108;
	_ =	swait.ge @!p0 [sflag:s8], $0x0  }
0x24: {  	s3 =	sadd.s32 $0x88, s3;
	s6 =	simm.s32 @!p1 $0x1082;
	[sflag:s4] =	ssyncset.s32 $0xFFFFF086  }
0x25: {  	[simem:s6], [sflag:s4] =	dma.local [hbm:s3], $0xF7A  }
0x26: {  	[smem:$0x3F8C] =	sst s1;
	(tag) =	ssettag s2;
	_ =	strace s9  }
0x27: {  	s1 =	sld [smem:$0x3F9C]  }
0x28: {  	s2 =	sld [smem:$0x3F9D]  }
0x29: {  	s4 =	sld [smem:$0x3F9F]  }
0x2a: {  	p0 =	seq.s32 s5, $0x0;
	s5 =	sld [smem:$0x3FA0]  }
0x2b: {  	s6 =	sld [smem:$0x3FA1]  }
0x2c: {  	s7 =	sld [smem:$0x3FA2]  }
0x2d: {  	s3 =	simm.s32 $0x108;
	s8 =	sld [smem:$0x3FA3]  }
0x2e: {  	s3 =	simm.s32 @!p0 $0x1082;
	s9 =	sld [smem:$0x3FA4]  }
0x2f: {  	lr =	sadd.s32 s0, s3;
	s0 =	sld [smem:$0x3F9B]  }
0x30: {  	s3 =	sld [smem:$0x3F9E]  }
0x31: {  	[smem:$0x3FA7] =	sst s10  }
0x32: {  	s10 =	sld [smem:$0x3FA5];
	_ =	sdelay $0x3  }
0x33: {  	p0 =	seq.s32 s10, $0x1;
	s10 =	sld [smem:$0x3FA7];
	_ =	sdelay $0x3  }
0x34: {  	[smem:$0x3FA7] =	sst s10  }
0x35: {  	s10 =	sld [smem:$0x3FA6];
	_ =	sdelay $0x3  }
0x36: {  	p1 =	seq.s32 s10, $0x1;
	s10 =	sld [smem:$0x3FA7];
	_ =	sdelay $0x3  }
0x37: {  	[smem:$0x3FA7] =	sst s10  }
0x38: {  	s10 =	sld [smem:$0x3FA8]  }
0x39: {  	_ = 	snop;
	(pc) =	sbr.ind lr, $3  }
0x3a: {  	_ = 	snop  }
0x3b: {  	_ = 	snop  }
0x3c: {  	p2 =	seq.s32 s10, $0x1;
	s10 =	sld [smem:$0x3FA7]  }
0x3d: {  	_ =	shalt  }
0x3e: {  	_ =	shalt  }
0x3f: {  	_ =	shalt  }
0x40: {  	_ =	shalt  }
0x41: {  	_ =	shalt  }
0x42: {  	_ =	shalt  }
0x43: {  	_ =	shalt  }
0x44: {  	_ =	shalt  }
0x45: {  	_ =	shalt  }
0x46: {  	_ =	shalt  }
0x47: {  	_ =	shalt  }
0x48: {  	_ =	shalt  }
0x49: {  	_ =	shalt  }
0x4a: {  	_ =	shalt  }
0x4b: {  	_ =	shalt  }
0x4c: {  	_ =	shalt  }
0x4d: {  	_ =	shalt  }
0x4e: {  	_ =	shalt  }
0x4f: {  	_ =	shalt  }
0x50: {  	_ =	shalt  }
0x51: {  	_ =	shalt  }
0x52: {  	_ =	shalt  }
0x53: {  	_ =	shalt  }
0x54: {  	_ =	shalt  }
0x55: {  	_ =	shalt  }
0x56: {  	_ =	shalt  }
0x57: {  	_ =	shalt  }
0x58: {  	_ =	shalt  }
0x59: {  	_ =	shalt  }
0x5a: {  	_ =	shalt  }
0x5b: {  	_ =	shalt  }
0x5c: {  	_ =	shalt  }
0x5d: {  	_ =	shalt  }
0x5e: {  	_ =	shalt  }
0x5f: {  	_ =	shalt  }
0x60: {  	_ =	shalt  }
0x61: {  	_ =	shalt  }
0x62: {  	_ =	shalt  }
0x63: {  	_ =	shalt  }
0x64: {  	_ =	shalt  }
0x65: {  	_ =	shalt  }
0x66: {  	_ =	shalt  }
0x67: {  	_ =	shalt  }
0x68: {  	_ =	shalt  }
0x69: {  	_ =	shalt  }
0x6a: {  	_ =	shalt  }
0x6b: {  	_ =	shalt  }
0x6c: {  	_ =	shalt  }
0x6d: {  	_ =	shalt  }
0x6e: {  	_ =	shalt  }
0x6f: {  	_ =	shalt  }
0x70: {  	_ =	shalt  }
0x71: {  	_ =	shalt  }
0x72: {  	_ =	shalt  }
0x73: {  	_ =	shalt  }
0x74: {  	_ =	shalt  }
0x75: {  	_ =	shalt  }
0x76: {  	_ =	shalt  }
0x77: {  	_ =	shalt  }
0x78: {  	_ =	shalt  }
0x79: {  	_ =	shalt  }
0x7a: {  	_ =	shalt  }
0x7b: {  	_ =	shalt  }
0x7c: {  	_ =	shalt  }
0x7d: {  	_ =	shalt  }
0x7e: {  	_ =	shalt  }
0x7f: {  	_ =	shalt  }
0x80: {  	_ =	shalt  }
0x81: {  	_ =	shalt  }
0x82: {  	_ =	shalt  }
0x83: {  	_ =	shalt  }
0x84: {  	_ =	shalt  }
0x85: {  	_ =	shalt  }
0x86: {  	_ =	shalt  }
0x87: {  	_ =	shalt  }
.Lfunc_end0:
.L_simem_size_0:
called_computation.1_lowered:
.L_overlay_start_0:
0x88: {  	s2 =	sld [smem:$0x3FD9]  }
0x89: {  	s3 =	sld [smem:$0x3FFE];
	_ =	sdelay $0x1  }
0x8a: {  	s1 =	srdreg.scid  }
0x8b: {  	s0 =	sand.u32 $0x1, s1  }
0x8c: {  	s16 =	sshll.u32 s0, $0xA;
	s2 =	sadd.s32 s3, s2  }
0x8d: {  	s2 =	sadd.s32 s2, s16  }
0x8e: {  	[smem:$0x3FB3] =	sst s2  }
0x8f: {  	_ = 	snop  }
0x90: {  	(tm) =	ssettm $0x1  }
0x91: {  	s17 =	sld [smem:$0x3FFB];
	_ =	sdelay $0x3  }
0x92: {  	_ =	strace s17  }
0x93: {  	s2 =	sld [smem:$0x3FFC];
	_ =	sdelay $0x3  }
0x94: {  	_ =	strace s2  }
0x95: {  	s2 =	sld [smem:$0x3FFD];
	_ =	sdelay $0x3  }
0x96: {  	_ =	strace s2  }
0x97: {  	_ =	strace $0x8FFFFFFF  }
0x98: {  	s18 =	sld [smem:$0x3FDB];
	_ =	sdelay $0x1  }
0x99: {  	s19 =	simm.s32 $_scs_section_size  }
0x9a: {  	s4 =	simm.s32 $_size__tile_overlayer_lowered;
	s5 =	simm.s32 $_tile_overlayer_lowered  }
0x9b: {  	s22 =	simm.s32 $0x1BFF;
	s21 =	sshll.u32 s5, $0x1;
	s2 =	sadd.s32 s19, s18  }
0x9c: {  	s6 =	simm.s32 $0x0;
	s20 =	sshll.u32 s4, $0x1;
	s4 =	sadd.s32 s21, s2  }
0x9d: {  	[timem:s6], [sflag:s22] =	dma.local [hbm:s4], s20  }
0x9e: {  	_ =	swait.ge [sflag:s22], s20  }
0x9f: {  	s3 =	ssub.s32 $0x0, s20;
	[sflag:s22] =	ssyncset.done $0x0  }
0xa0: {  	[sflag:s22] =	ssyncadd.s32 s3;
	_ =	sdelay $0x1  }
0xa1: {  	s23 =	simm.s32 $0x1B8B  }
0xa2: {  	_ =	swait.ge [sflag:s23], $0x1  }
0xa3: {  	[sflag:s23] =	ssyncset.done $0x0  }
0xa4: {  	s25 =	simm.s32 $0x1B8E;
	s24 =	sld [smem:$0x3FFE];
	[sflag:s23] =	ssyncadd.s32 $0xFFFFFFFF  }
0xa5: {  	s26 =	simm.s32 $execute0_lowered;
	[smem:$0x3FD2] =	sst s25  }
0xa6: {  	s4 =	sshll.u32 s26, $0x1;
	_ =	strace $0x80000046;
	[dreg:$0x1] =	wrdreg $0xFFFFFFFF  }
0xa7: {  	s28 =	simm.s32 $_size_execute0_lowered;
	s2 =	sadd.s32 s2, s4;
	[dreg:$0x0] =	wrdreg $0x0  }
0xa8: {  	s4 =	sshll.u32 s28, $0x1;
	[dreg:$0x2] =	wrdreg s2  }
0xa9: {  	[dreg:$0x3] =	wrdreg s4  }
0xaa: {  	[dreg:$0x4] =	wrdreg $0xC0  }
0xab: {  	_ =	task [dreg:s6], $0x5FFFF  }
0xac: {  	[dreg:$0x1] =	wrdreg $0xFFFFFFFF  }
0xad: {  	[dreg:$0x0] =	wrdreg $0x60  }
0xae: {  	[dreg:$0x2] =	wrdreg s24  }
0xaf: {  	[dreg:$0x3] =	wrdreg $0xA  }
0xb0: {  	_ =	task.clear_ibuf [dreg:s6], $0x4FFFF;
	_ =	strace $0x90000046  }
0xb1: {  	s29 =	simm.s32 $0xA;
	_ =	strace $0x80000048  }
0xb2: {  	_ =	swait.ge [sflag:s29], $0x1  }
0xb3: {  	[sflag:s29] =	ssyncadd.s32 $0xFFFFFFFF  }
0xb4: {  	_ =	strace $0x90000048  }
0xb5: {  	_ =	sfence  }
0xb6: {  	s30 =	sld [smem:$0x0];
	_ =	sdelay $0x2  }
0xb7: {  	s31 =	sshll.u32 s1, $0xD;
	s1 =	sshrl.u32 s1, $0x2  }
0xb8: {  	s3 =	sand.u32 $0x4000, s31;
	s1 =	sadd.s32 s1, s30  }
0xb9: {  	s0 =	sor.u32 s3, s0;
	s1 =	sshll.u32 s1, $0x11  }
0xba: {  	s0 =	sor.u32 s1, s0  }
0xbb: {  	s0 =	sadd.s32 $0x8F2B, s0  }
0xbc: {  	[sflag:s0] =	ssyncadd.remote.s32 $0x1  }
0xbd: {  	_ =	sfence.sel $0xFFFF  }
0xbe: {  	[dreg:$0x0] =	wrdreg $0xFFFFFFFF;
	(pc) =	sbr.abs _section_cstart, $3  }
0xbf: {  	[dreg:$0x1] =	wrdreg $0xFFFFFFFF  }
0xc0: {  	_ =	task.clear_ibuf [dreg:s6], $0x2FFFF;
	_ =	strace $0x9FFFFFFF  }
0xc1: {  	(tm) =	ssettm $0x7FFFFFFF  }
tec
execute0_lowered:
.L_overlay_start_1:
0x0: {  	(tag) =	ssettag $0x1  }
0x1: {  	s4 =	rddreg [dreg:$0x0]  }
0x2: {  	s0 =	rddreg [dreg:$0x1];
	s2 =	simm.s32 $0x0;
	s3 =	srdreg.scid  }
0x3: {  	s1 =	stileid.u32;
	s12 =	simm.s32 $0x1;
	s13 =	simm.s32 $0x2  }
0x4: {  	s14 =	simm.s32 $0x0;
	[smem:$0x7FF] =	sst s2;
	s5 =	sand.u32 $0x1, s3  }
0x5: {  	s29 =	sshll.u32 s1, $0x1;
	s3 =	sadd.s32 $0x10A00, s4;
	s8 =	sadd.s32 $0x38000, s4  }
0x6: {  	s10 =	smul.u32 $0x27100, s1;
	_ =	strace $0x80000047;
	s6 =	sor.u32 s5, s29  }
0x7: {  	s30 =	ssub.s32 $0x2, s5;
	s11 =	smul.u32 $0x13880, s5;
	s7 =	sshll.u32 s6, $0xB  }
0x8: {  	s6 =	smul.u32 $0x9C400, s6;
	s9 =	sshrl.u32 s30, $0x1;
	s31 =	sadd.s32 s10, s8  }
0x9: {  	s10 =	simm.s32 $0x4000;
	s7 =	sadd.s32 s7, s4;
	s9 =	ssub.s32 s30, s9  }
0xa: {  	s6 =	sshrl.u32 s6, $0x3;
	s4 =	sadd.s32 $0xA00, s7;
	s7 =	sadd.s32 s11, s31  }
0xb: {  	s11 =	simm.s32 $0x5400;
	s6 =	sadd.s32 s8, s6;
	s8 =	simm.s32 $0x3  }
0xc: {  	s5 =	sadd.s32 $0x13600, s6;
	s6 =	smax.u32 s9, $0x1;
	s9 =	simm.s32 $0x28  }
.LBB2_1:
0xd: {  	[tilespmem:s2], [sflag:$0x3] =	stream.linear.gather [hbm4b:s4+s2], $0x3E80, $0x38;
	[tilespmem:$0x6800] =	vst v63  }
0xe: {  	_ =	swait.ge [sflag:s8], $0x3E80  }
0xf: {  	[sflag:s8] =	ssyncset.done $0x0  }
0x10: {  	[sflag:s8] =	ssyncadd.s32 $0xFFFFC180  }
0x11: {  	[tilespmem:s10], [sflag:$0x1] =	stream.indirect.gather [hbm4b:s3+s9], $0x80, s2, s9, $0xb8;
	[tilespmem:$0x6800] =	vst v63  }
0x12: {  	s15 =	simm.s32 $0x80  }
0x13: {  	[tilespmem:s11], [sflag:$0x2] =	stream.indirect.gather [hbm4b:s3+s9], $0x80, s15, s9, $0xb8;
	[tilespmem:$0x6800] =	vst v63  }
0x14: {  	_ =	swait.ge [sflag:s12], $0x1400  }
0x15: {  	[sflag:s12] =	ssyncset.done $0x0  }
0x16: {  	s31 =	sadd.s32 $0x0, s7;
	[sflag:s12] =	ssyncadd.s32 $0xFFFFEC00  }
0x17: {  	[hbm4b:s31+s2] =	stream.linear.scatter [tilespmem:s10], [sflag:$0x3], $0x1400, $0x38;
	[tilespmem:$0x6800] =	vst v63  }
0x18: {  	_ =	swait.ge [sflag:s8], $0x1400  }
0x19: {  	[sflag:s8] =	ssyncset.done $0x0  }
0x1a: {  	s16 =	simm.s32 $0x100;
	[sflag:s8] =	ssyncadd.s32 $0xFFFFEC00  }
0x1b: {  	[tilespmem:s10], [sflag:$0x1] =	stream.indirect.gather [hbm4b:s3+s9], $0x80, s16, s9, $0xb8;
	[tilespmem:$0x6800] =	vst v63  }
0x1c: {  	_ =	swait.ge [sflag:s13], $0x1400  }
0x1d: {  	[sflag:s13] =	ssyncset.done $0x0  }
0x1e: {  	s15 =	sadd.s32 $0x280, s31;
	[sflag:s13] =	ssyncadd.s32 $0xFFFFEC00  }
0x1f: {  	[hbm4b:s15+s2] =	stream.linear.scatter [tilespmem:s11], [sflag:$0x3], $0x1400, $0x38;
	[tilespmem:$0x6800] =	vst v63  }
0x20: {  	s17 =	simm.s32 $0xA00;
	_ =	swait.ge [sflag:s8], $0x1400  }
0x21: {  	s16 =	simm.s32 $0x500;
	s15 =	simm.s32 $0x200;
	[sflag:s8] =	ssyncset.done $0x0  }
.LBB2_2:
0x22: {  	p0 =	sne.s32 s17, $0x13100;
	s18 =	sadd.s32 $0xFFFFFF80, s15;
	[sflag:s8] =	ssyncadd.s32 $0xFFFFEC00  }
0x23: {  	[tilespmem:s11], [sflag:$0x2] =	stream.indirect.gather [hbm4b:s3+s9], $0x80, s18, s9, $0xb8;
	[tilespmem:$0x6800] =	vst v63  }
0x24: {  	s18 =	smov.u32 s17;
	s17 =	sadd.s32 $0x500, s17;
	_ =	swait.ge [sflag:s12], $0x1400  }
0x25: {  	[sflag:s12] =	ssyncset.done $0x0  }
0x26: {  	s19 =	sadd.s32 s16, s7;
	s16 =	smov.u32 s18;
	[sflag:s12] =	ssyncadd.s32 $0xFFFFEC00  }
0x27: {  	[hbm4b:s19+s2] =	stream.linear.scatter [tilespmem:s10], [sflag:$0x3], $0x1400, $0x38;
	[tilespmem:$0x6800] =	vst v63  }
0x28: {  	_ =	swait.ge [sflag:s8], $0x1400  }
0x29: {  	[sflag:s8] =	ssyncset.done $0x0  }
0x2a: {  	[sflag:s8] =	ssyncadd.s32 $0xFFFFEC00  }
0x2b: {  	[tilespmem:s10], [sflag:$0x1] =	stream.indirect.gather [hbm4b:s3+s9], $0x80, s15, s9, $0xb8;
	[tilespmem:$0x6800] =	vst v63  }
0x2c: {  	_ =	swait.ge [sflag:s13], $0x1400  }
.Ltmp0:
0x2d: {  	[sflag:s13] =	ssyncset.done $0x0;
	(pc) =	sbr.rel @p0 .LBB2_2-.Ltmp0, $4  }
0x2e: {  	s18 =	sadd.s32 $0x280, s19;
	[sflag:s13] =	ssyncadd.s32 $0xFFFFEC00  }
0x2f: {  	[hbm4b:s18+s2] =	stream.linear.scatter [tilespmem:s11], [sflag:$0x3], $0x1400, $0x38;
	[tilespmem:$0x6800] =	vst v63  }
0x30: {  	_ =	swait.ge [sflag:s8], $0x1400  }
0x31: {  	s15 =	sadd.s32 $0x100, s15;
	[sflag:s8] =	ssyncset.done $0x0  }
0x32: {  	s17 =	sadd.s32 $0xFFFFFF80, s15;
	[sflag:s8] =	ssyncadd.s32 $0xFFFFEC00  }
0x33: {  	[tilespmem:s11], [sflag:$0x2] =	stream.indirect.gather [hbm4b:s3+s9], $0x80, s17, s9, $0xb8;
	[tilespmem:$0x6800] =	vst v63  }
0x34: {  	_ =	swait.ge [sflag:s12], $0x1400  }
0x35: {  	[sflag:s12] =	ssyncset.done $0x0  }
0x36: {  	s16 =	sadd.s32 s16, s7;
	[sflag:s12] =	ssyncadd.s32 $0xFFFFEC00  }
0x37: {  	[hbm4b:s16+s2] =	stream.linear.scatter [tilespmem:s10], [sflag:$0x3], $0x1400, $0x38;
	[tilespmem:$0x6800] =	vst v63  }
0x38: {  	_ =	swait.ge [sflag:s8], $0x1400  }
0x39: {  	[sflag:s8] =	ssyncset.done $0x0  }
0x3a: {  	[sflag:s8] =	ssyncadd.s32 $0xFFFFEC00  }
0x3b: {  	[tilespmem:s10], [sflag:$0x1] =	stream.indirect.gather [hbm4b:s3+s9], $0x80, s15, s9, $0xb8;
	[tilespmem:$0x6800] =	vst v63  }
0x3c: {  	_ =	swait.ge [sflag:s13], $0x1400  }
0x3d: {  	[sflag:s13] =	ssyncset.done $0x0  }
0x3e: {  	s31 =	sadd.s32 $0x280, s16;
	[sflag:s13] =	ssyncadd.s32 $0xFFFFEC00  }
0x3f: {  	[hbm4b:s31+s2] =	stream.linear.scatter [tilespmem:s11], [sflag:$0x3], $0x1400, $0x38;
	[tilespmem:$0x6800] =	vst v63  }
0x40: {  	_ =	swait.ge [sflag:s8], $0x1400  }
0x41: {  	[sflag:s8] =	ssyncset.done $0x0  }
0x42: {  	[sflag:s8] =	ssyncadd.s32 $0xFFFFEC00  }
0x43: {  	s14 =	sadd.s32 $0x1, s14;
	_ =	swait.ge [sflag:s12], $0x1400  }
0x44: {  	p0 =	sne.s32 s14, s6;
	[sflag:s12] =	ssyncset.done $0x0  }
.Ltmp1:
0x45: {  	[sflag:s12] =	ssyncadd.s32 $0xFFFFEC00;
	(pc) =	sbr.rel @p0 .LBB2_1-.Ltmp1, $4  }
0x46: {  	[hbm4b:s5+s2] =	stream.linear.scatter [tilespmem:s10], [sflag:$0x3], $0x1400, $0x38;
	[tilespmem:$0x6800] =	vst v63  }
0x47: {  	_ =	swait.ge [sflag:s8], $0x1400  }
0x48: {  	[sflag:s8] =	ssyncset.done $0x0  }
0x49: {  	[sflag:s8] =	ssyncadd.s32 $0xFFFFEC00  }
0x4a: {  	_ =	sfence.sel $0x180000  }
0x4b: {  	[bflag:$0x0] =	sbarrier.arrive $0xFFFF  }
0x4c: {  	p0 =	sne.s32 s1, $0x0;
	_ =	strace $0x90000047  }
0x4d: {  	s0 =	sadd.s32 @!p0 $0x100000, s0;
	[bflag:$0x2] =	sbarrier.arrive $0xFFFF  }
0x4e: {  	[sflag:s0] =	ssyncadd.tile.s32 @!p0 $0x1;
	_ =	shalt  }
.Lfunc_end2:
_tile_overlayer_lowered:
.L_overlay_start_2:
0x4f: {  	(tag) =	ssettag $0x2  }
0x50: {  	s0 =	rddreg [dreg:$0x0];
	s2 =	stileid.u32  }
0x51: {  	s1 =	rddreg [dreg:$0x1];
	p0 =	sne.s32 s2, $0x0  }
0x52: {  	s3 =	rddreg [dreg:$0x2];
	[bflag:$0x3] =	sbarrier.arrive $0xFFFF;
	s2 =	simm.s32 @!p0 $0x1C03  }
0x53: {  	[timem:s3], [sflag:s2] =	dma.local @!p0 [hbm:s0], s1  }
0x54: {  	s0 =	simm.s32 @!p0 $0x3  }
0x55: {  	_ =	swait.ge @!p0 [sflag:s0], s1  }
0x56: {  	s1 =	ssub.s32 @!p0 $0x0, s1;
	[sflag:s0] =	ssyncset.done @!p0 $0x0  }
0x57: {  	[sflag:s0] =	ssyncadd.s32 @!p0 s1  }
0x58: {  	[bflag:$0x3] =	sbarrier.arrive $0xFFFF  }
0x59: {  	_ =	shalt  }

// kernel: kernel.9.cloned.1.call-start
scs
__scs_entry_jumppad:
0x0: {  	(pc) =	sbr.rel $0x88, $3  }
0x1: {  	(tag) =	ssettag $0x0;
	lr =	simm.s32 $0x1  }
0x2: {  	[smem:$0x3F8C] =	sst lr;
	_ =	strace $0xD0000000  }
0x3: {  	_ = 	snop  }
0x4: {  	_ = 	snop  }
0x5: {  	_ = 	snop  }
0x6: {  	_ = 	snop  }
0x7: {  	_ = 	snop  }
__scs_overlays_trampoline_lowered:
0x8: {  	[smem:$0x3F9B] =	sst s0  }
0x9: {  	[smem:$0x3F9C] =	sst s1  }
0xa: {  	[smem:$0x3F9D] =	sst s2  }
0xb: {  	[smem:$0x3F9E] =	sst s3  }
0xc: {  	[smem:$0x3F9F] =	sst s4  }
0xd: {  	[smem:$0x3FA0] =	sst s5  }
0xe: {  	[smem:$0x3FA1] =	sst s6  }
0xf: {  	[smem:$0x3FA2] =	sst s7  }
0x10: {  	[smem:$0x3FA3] =	sst s8  }
0x11: {  	[smem:$0x3FA4] =	sst s9;
	s0 =	simm.s32 @!p0 $0x0  }
0x12: {  	s1 =	sld [smem:$0x3F8A];
	s0 =	simm.s32 @p0 $0x1  }
0x13: {  	[smem:$0x3FA5] =	sst s0;
	s0 =	simm.s32 @!p1 $0x0  }
0x14: {  	s2 =	sld [smem:$0x3F89];
	s0 =	simm.s32 @p1 $0x1  }
0x15: {  	[smem:$0x3FA6] =	sst s0;
	s0 =	simm.s32 @!p2 $0x0  }
0x16: {  	s3 =	sld [smem:$0x3FDB];
	s0 =	simm.s32 @p2 $0x1  }
0x17: {  	s4 =	simm.s32 $0x1BF5;
	[smem:$0x3FA8] =	sst s0  }
0x18: {  	s0 =	sld [smem:$0x3F8B];
	_ =	swait.ge [sflag:s4], $0x0  }
0x19: {  	s7 =	sld [smem:$0x3F8C]  }
0x1a: {  	s8 =	sadd.s32 $0xFFFFE003, lr  }
0x1b: {  	s9 =	sadd.s32 $0xFFFFFEF7, lr;
	s5 =	simm.s32 $0xFFFFFFFF;
	p2 =	slt.u32 s8, $0xFFFFF086  }
0x1c: {  	p1 =	slt.u32 s9, $0xF7A;
	s5 =	simm.s32 @!p2 $0x0  }
0x1d: {  	s5 =	simm.s32 @p1 $0x1;
	p0 =	seq.s32 s7, s2  }
0x1e: {  	s7 =	smul.u32 @!p0 $0xF7A, s2;
	p2 =	seq.s32 @!p0 s5, $0x0  }
0x1f: {  	s9 =	smul.u32 $0xF7A, s1;
	s8 =	simm.s32 @!p0 $0x1BF5;
	p2 =	por !p2, p0  }
0x20: {  	[sflag:s8] =	ssyncset.s32 @!p0 $0xFFFFF086;
	s6 =	sadd.s32 @!p0 s3, s7;
	s7 =	simm.s32 @!p0 $0x108  }
0x21: {  	s3 =	sadd.s32 s3, s9;
	s6 =	sadd.s32 @!p0 $0x88, s6;
	s7 =	simm.s32 @p2 $0x1082  }
0x22: {  	[simem:s7], [sflag:s8] =	dma.local @!p0 [hbm:s6], $0xF7A  }
0x23: {  	s9 =	sor.u32 $0xD0000000, s2;
	s6 =	simm.s32 $0x108;
	_ =	swait.ge @!p0 [sflag:s8], $0x0  }
0x24: {  	s3 =	sadd.s32 $0x88, s3;
	s6 =	simm.s32 @!p1 $0x1082;
	[sflag:s4] =	ssyncset.s32 $0xFFFFF086  }
0x25: {  	[simem:s6], [sflag:s4] =	dma.local [hbm:s3], $0xF7A  }
0x26: {  	[smem:$0x3F8C] =	sst s1;
	(tag) =	ssettag s2;
	_ =	strace s9  }
0x27: {  	s1 =	sld [smem:$0x3F9C]  }
0x28: {  	s2 =	sld [smem:$0x3F9D]  }
0x29: {  	s4 =	sld [smem:$0x3F9F]  }
0x2a: {  	p0 =	seq.s32 s5, $0x0;
	s5 =	sld [smem:$0x3FA0]  }
0x2b: {  	s6 =	sld [smem:$0x3FA1]  }
0x2c: {  	s7 =	sld [smem:$0x3FA2]  }
0x2d: {  	s3 =	simm.s32 $0x108;
	s8 =	sld [smem:$0x3FA3]  }
0x2e: {  	s3 =	simm.s32 @!p0 $0x1082;
	s9 =	sld [smem:$0x3FA4]  }
0x2f: {  	lr =	sadd.s32 s0, s3;
	s0 =	sld [smem:$0x3F9B]  }
0x30: {  	s3 =	sld [smem:$0x3F9E]  }
0x31: {  	[smem:$0x3FA7] =	sst s10  }
0x32: {  	s10 =	sld [smem:$0x3FA5];
	_ =	sdelay $0x3  }
0x33: {  	p0 =	seq.s32 s10, $0x1;
	s10 =	sld [smem:$0x3FA7];
	_ =	sdelay $0x3  }
0x34: {  	[smem:$0x3FA7] =	sst s10  }
0x35: {  	s10 =	sld [smem:$0x3FA6];
	_ =	sdelay $0x3  }
0x36: {  	p1 =	seq.s32 s10, $0x1;
	s10 =	sld [smem:$0x3FA7];
	_ =	sdelay $0x3  }
0x37: {  	[smem:$0x3FA7] =	sst s10  }
0x38: {  	s10 =	sld [smem:$0x3FA8]  }
0x39: {  	_ = 	snop;
	(pc) =	sbr.ind lr, $3  }
0x3a: {  	_ = 	snop  }
0x3b: {  	_ = 	snop  }
0x3c: {  	p2 =	seq.s32 s10, $0x1;
	s10 =	sld [smem:$0x3FA7]  }
0x3d: {  	_ =	shalt  }
0x3e: {  	_ =	shalt  }
0x3f: {  	_ =	shalt  }
0x40: {  	_ =	shalt  }
0x41: {  	_ =	shalt  }
0x42: {  	_ =	shalt  }
0x43: {  	_ =	shalt  }
0x44: {  	_ =	shalt  }
0x45: {  	_ =	shalt  }
0x46: {  	_ =	shalt  }
0x47: {  	_ =	shalt  }
0x48: {  	_ =	shalt  }
0x49: {  	_ =	shalt  }
0x4a: {  	_ =	shalt  }
0x4b: {  	_ =	shalt  }
0x4c: {  	_ =	shalt  }
0x4d: {  	_ =	shalt  }
0x4e: {  	_ =	shalt  }
0x4f: {  	_ =	shalt  }
0x50: {  	_ =	shalt  }
0x51: {  	_ =	shalt  }
0x52: {  	_ =	shalt  }
0x53: {  	_ =	shalt  }
0x54: {  	_ =	shalt  }
0x55: {  	_ =	shalt  }
0x56: {  	_ =	shalt  }
0x57: {  	_ =	shalt  }
0x58: {  	_ =	shalt  }
0x59: {  	_ =	shalt  }
0x5a: {  	_ =	shalt  }
0x5b: {  	_ =	shalt  }
0x5c: {  	_ =	shalt  }
0x5d: {  	_ =	shalt  }
0x5e: {  	_ =	shalt  }
0x5f: {  	_ =	shalt  }
0x60: {  	_ =	shalt  }
0x61: {  	_ =	shalt  }
0x62: {  	_ =	shalt  }
0x63: {  	_ =	shalt  }
0x64: {  	_ =	shalt  }
0x65: {  	_ =	shalt  }
0x66: {  	_ =	shalt  }
0x67: {  	_ =	shalt  }
0x68: {  	_ =	shalt  }
0x69: {  	_ =	shalt  }
0x6a: {  	_ =	shalt  }
0x6b: {  	_ =	shalt  }
0x6c: {  	_ =	shalt  }
0x6d: {  	_ =	shalt  }
0x6e: {  	_ =	shalt  }
0x6f: {  	_ =	shalt  }
0x70: {  	_ =	shalt  }
0x71: {  	_ =	shalt  }
0x72: {  	_ =	shalt  }
0x73: {  	_ =	shalt  }
0x74: {  	_ =	shalt  }
0x75: {  	_ =	shalt  }
0x76: {  	_ =	shalt  }
0x77: {  	_ =	shalt  }
0x78: {  	_ =	shalt  }
0x79: {  	_ =	shalt  }
0x7a: {  	_ =	shalt  }
0x7b: {  	_ =	shalt  }
0x7c: {  	_ =	shalt  }
0x7d: {  	_ =	shalt  }
0x7e: {  	_ =	shalt  }
0x7f: {  	_ =	shalt  }
0x80: {  	_ =	shalt  }
0x81: {  	_ =	shalt  }
0x82: {  	_ =	shalt  }
0x83: {  	_ =	shalt  }
0x84: {  	_ =	shalt  }
0x85: {  	_ =	shalt  }
0x86: {  	_ =	shalt  }
0x87: {  	_ =	shalt  }
.Lfunc_end0:
.L_simem_size_0:
called_computation_lowered:
.L_overlay_start_0:
0x88: {  	s2 =	sld [smem:$0x3FD9]  }
0x89: {  	s3 =	sld [smem:$0x3FFE];
	_ =	sdelay $0x1  }
0x8a: {  	s1 =	srdreg.scid  }
0x8b: {  	s0 =	sand.u32 $0x1, s1  }
0x8c: {  	s17 =	sshll.u32 s0, $0xA;
	s2 =	sadd.s32 s3, s2  }
0x8d: {  	s2 =	sadd.s32 s2, s17  }
0x8e: {  	[smem:$0x3FB3] =	sst s2  }
0x8f: {  	_ = 	snop  }
0x90: {  	(tm) =	ssettm $0x1  }
0x91: {  	s18 =	sld [smem:$0x3FFB];
	_ =	sdelay $0x3  }
0x92: {  	_ =	strace s18  }
0x93: {  	s2 =	sld [smem:$0x3FFC];
	_ =	sdelay $0x3  }
0x94: {  	_ =	strace s2  }
0x95: {  	s2 =	sld [smem:$0x3FFD];
	_ =	sdelay $0x3  }
0x96: {  	_ =	strace s2  }
0x97: {  	_ =	strace $0x8FFFFFFF  }
0x98: {  	s19 =	sld [smem:$0x3FDB];
	_ =	sdelay $0x1  }
0x99: {  	s20 =	simm.s32 $_scs_section_size  }
0x9a: {  	s4 =	simm.s32 $_size__tile_overlayer_lowered;
	s5 =	simm.s32 $_tile_overlayer_lowered  }
0x9b: {  	s6 =	simm.s32 $0x1BFF;
	s21 =	sshll.u32 s5, $0x1;
	s3 =	sadd.s32 s20, s19  }
0x9c: {  	s22 =	simm.s32 $0x0;
	s4 =	sshll.u32 s4, $0x1;
	s5 =	sadd.s32 s21, s3  }
0x9d: {  	[timem:s22], [sflag:s6] =	dma.local [hbm:s5], s4  }
0x9e: {  	_ =	swait.ge [sflag:s6], s4  }
0x9f: {  	s4 =	ssub.s32 $0x0, s4;
	[sflag:s6] =	ssyncset.done $0x0  }
0xa0: {  	[sflag:s6] =	ssyncadd.s32 s4;
	_ =	sdelay $0x1  }
0xa1: {  	s23 =	simm.s32 $0x1B8B  }
0xa2: {  	_ =	swait.ge [sflag:s23], $0x1  }
0xa3: {  	[sflag:s23] =	ssyncset.done $0x0  }
0xa4: {  	[sflag:s23] =	ssyncadd.s32 $0xFFFFFFFF  }
0xa5: {  	s4 =	sld [smem:$0x0]  }
0xa6: {  	s5 =	sand.u32 $0xFFFFFFFE, s1  }
0xa7: {  	p0 =	sne.s32 s1, s5  }
0xa8: {  	s5 =	sshll.u32 @p0 s5, $0xE  }
0xa9: {  	s5 =	sadd.s32 @p0 $0x11B8D, s5;
	s6 =	sshll.u32 @p0 s4, $0x11  }
0xaa: {  	s5 =	sor.u32 @p0 s6, s5  }
0xab: {  	[sflag:s5] =	ssyncadd.remote.s32 @p0 $0x1;
	_ =	sdelay $0x1  }
0xac: {  	s5 =	simm.s32 @p0 $0x1B8D  }
0xad: {  	_ =	swait.eq @p0 [sflag:s5], $0x1  }
0xae: {  	[sflag:s5] =	ssyncadd.s32 @p0 $0xFFFFFFFF  }
0xaf: {  	s6 =	sshll.u32 @!p0 s1, $0xE  }
0xb0: {  	s6 =	sor.u32 @!p0 $0x4000, s6;
	s5 =	simm.s32 @!p0 $0x1B8D  }
0xb1: {  	s4 =	sshll.u32 @!p0 s4, $0x11;
	s6 =	sadd.s32 @!p0 $0x11B8D, s6;
	_ =	swait.eq @!p0 [sflag:s5], $0x1  }
0xb2: {  	s4 =	sor.u32 @!p0 s4, s6;
	[sflag:s5] =	ssyncadd.s32 @!p0 $0xFFFFFFFF  }
0xb3: {  	s25 =	simm.s32 $0x1B8E;
	s24 =	sld [smem:$0x3FFE];
	[sflag:s4] =	ssyncadd.remote.s32 @!p0 $0x1  }
0xb4: {  	s26 =	simm.s32 $execute0_lowered;
	[smem:$0x3FD2] =	sst s25  }
0xb5: {  	s5 =	sshll.u32 s26, $0x1;
	_ =	strace $0x80000049;
	[dreg:$0x1] =	wrdreg $0xFFFFFFFF  }
0xb6: {  	s28 =	simm.s32 $_size_execute0_lowered;
	s3 =	sadd.s32 s3, s5;
	[dreg:$0x0] =	wrdreg $0x0  }
0xb7: {  	s5 =	sshll.u32 s28, $0x1;
	[dreg:$0x2] =	wrdreg s3  }
0xb8: {  	[dreg:$0x3] =	wrdreg s5  }
0xb9: {  	[dreg:$0x4] =	wrdreg $0xC0  }
0xba: {  	_ =	task [dreg:s22], $0x5FFFF  }
0xbb: {  	[dreg:$0x1] =	wrdreg $0xFFFFFFFF  }
0xbc: {  	[dreg:$0x0] =	wrdreg $0x60  }
0xbd: {  	[dreg:$0x2] =	wrdreg s24  }
0xbe: {  	[dreg:$0x3] =	wrdreg $0x9  }
0xbf: {  	_ =	task.clear_ibuf [dreg:s22], $0x4FFFF;
	_ =	strace $0x90000049  }
0xc0: {  	s29 =	simm.s32 $0x9;
	_ =	strace $0x8000004B  }
0xc1: {  	_ =	swait.ge [sflag:s29], $0x1  }
0xc2: {  	[sflag:s29] =	ssyncadd.s32 $0xFFFFFFFF  }
0xc3: {  	_ =	strace $0x9000004B  }
0xc4: {  	_ =	sfence  }
0xc5: {  	s30 =	sld [smem:$0x0];
	_ =	sdelay $0x2  }
0xc6: {  	s31 =	sshll.u32 s1, $0xD;
	s1 =	sshrl.u32 s1, $0x2  }
0xc7: {  	s4 =	sand.u32 $0x4000, s31;
	s1 =	sadd.s32 s1, s30  }
0xc8: {  	s0 =	sor.u32 s4, s0;
	s1 =	sshll.u32 s1, $0x11  }
0xc9: {  	s0 =	sor.u32 s1, s0  }
0xca: {  	s0 =	sadd.s32 $0x8F2B, s0  }
0xcb: {  	[sflag:s0] =	ssyncadd.remote.s32 $0x1  }
0xcc: {  	_ =	sfence.sel $0xFFFF  }
0xcd: {  	[dreg:$0x0] =	wrdreg $0xFFFFFFFF;
	(pc) =	sbr.abs _section_cstart, $3  }
0xce: {  	[dreg:$0x1] =	wrdreg $0xFFFFFFFF  }
0xcf: {  	_ =	task.clear_ibuf [dreg:s22], $0x2FFFF;
	_ =	strace $0x9FFFFFFF  }
0xd0: {  	(tm) =	ssettm $0x7FFFFFFF  }
0xd1: {  	_ =	shalt  }
tec
execute0_lowered:
.L_overlay_start_1:
0x0: {  	(tag) =	ssettag $0x1  }
0x1: {  	s4 =	rddreg [dreg:$0x0]  }
0x2: {  	s0 =	rddreg [dreg:$0x1];
	s2 =	simm.s32 $0x0;
	s3 =	srdreg.scid  }
0x3: {  	s1 =	stileid.u32;
	s12 =	simm.s32 $0x1;
	s13 =	simm.s32 $0x2  }
0x4: {  	s14 =	simm.s32 $0x0;
	[smem:$0x7FF] =	sst s2;
	s5 =	sand.u32 $0x1, s3  }
0x5: {  	s29 =	sshll.u32 s1, $0x1;
	s3 =	sadd.s32 $0x10A00, s4;
	s8 =	sadd.s32 $0x2B9000, s4  }
0x6: {  	s10 =	smul.u32 $0x27100, s1;
	_ =	strace $0x8000004A;
	s6 =	sor.u32 s5, s29  }
0x7: {  	s30 =	ssub.s32 $0x2, s5;
	s11 =	smul.u32 $0x13880, s5;
	s7 =	sshll.u32 s6, $0xB  }
0x8: {  	s6 =	smul.u32 $0x9C400, s6;
	s9 =	sshrl.u32 s30, $0x1;
	s31 =	sadd.s32 s10, s8  }
0x9: {  	s10 =	simm.s32 $0x4000;
	s7 =	sadd.s32 s7, s4;
	s9 =	ssub.s32 s30, s9  }
0xa: {  	s6 =	sshrl.u32 s6, $0x3;
	s4 =	sadd.s32 $0x2A9000, s7;
	s7 =	sadd.s32 s11, s31  }
0xb: {  	s11 =	simm.s32 $0x5400;
	s6 =	sadd.s32 s8, s6;
	s8 =	simm.s32 $0x3  }
0xc: {  	s5 =	sadd.s32 $0x13600, s6;
	s6 =	smax.u32 s9, $0x1;
	s9 =	simm.s32 $0x28  }
.LBB2_1:
0xd: {  	[tilespmem:s2], [sflag:$0x3] =	stream.linear.gather [hbm4b:s4+s2], $0x3E80, $0x38;
	[tilespmem:$0x6800] =	vst v63  }
0xe: {  	_ =	swait.ge [sflag:s8], $0x3E80  }
0xf: {  	[sflag:s8] =	ssyncset.done $0x0  }
0x10: {  	[sflag:s8] =	ssyncadd.s32 $0xFFFFC180  }
0x11: {  	[tilespmem:s10], [sflag:$0x1] =	stream.indirect.gather [hbm4b:s3+s9], $0x80, s2, s9, $0xb8;
	[tilespmem:$0x6800] =	vst v63  }
0x12: {  	s15 =	simm.s32 $0x80  }
0x13: {  	[tilespmem:s11], [sflag:$0x2] =	stream.indirect.gather [hbm4b:s3+s9], $0x80, s15, s9, $0xb8;
	[tilespmem:$0x6800] =	vst v63  }
0x14: {  	_ =	swait.ge [sflag:s12], $0x1400  }
0x15: {  	[sflag:s12] =	ssyncset.done $0x0  }
0x16: {  	s31 =	sadd.s32 $0x0, s7;
	[sflag:s12] =	ssyncadd.s32 $0xFFFFEC00  }
0x17: {  	[hbm4b:s31+s2] =	stream.linear.scatter [tilespmem:s10], [sflag:$0x3], $0x1400, $0x38;
	[tilespmem:$0x6800] =	vst v63  }
0x18: {  	_ =	swait.ge [sflag:s8], $0x1400  }
0x19: {  	[sflag:s8] =	ssyncset.done $0x0  }
0x1a: {  	s16 =	simm.s32 $0x100;
	[sflag:s8] =	ssyncadd.s32 $0xFFFFEC00  }
0x1b: {  	[tilespmem:s10], [sflag:$0x1] =	stream.indirect.gather [hbm4b:s3+s9], $0x80, s16, s9, $0xb8;
	[tilespmem:$0x6800] =	vst v63  }
0x1c: {  	_ =	swait.ge [sflag:s13], $0x1400  }
0x1d: {  	[sflag:s13] =	ssyncset.done $0x0  }
0x1e: {  	s15 =	sadd.s32 $0x280, s31;
	[sflag:s13] =	ssyncadd.s32 $0xFFFFEC00  }
0x1f: {  	[hbm4b:s15+s2] =	stream.linear.scatter [tilespmem:s11], [sflag:$0x3], $0x1400, $0x38;
	[tilespmem:$0x6800] =	vst v63  }
0x20: {  	s17 =	simm.s32 $0xA00;
	_ =	swait.ge [sflag:s8], $0x1400  }
0x21: {  	s16 =	simm.s32 $0x500;
	s15 =	simm.s32 $0x200;
	[sflag:s8] =	ssyncset.done $0x0  }
.LBB2_2:
0x22: {  	p0 =	sne.s32 s17, $0x13100;
	s18 =	sadd.s32 $0xFFFFFF80, s15;
	[sflag:s8] =	ssyncadd.s32 $0xFFFFEC00  }
0x23: {  	[tilespmem:s11], [sflag:$0x2] =	stream.indirect.gather [hbm4b:s3+s9], $0x80, s18, s9, $0xb8;
	[tilespmem:$0x6800] =	vst v63  }
0x24: {  	s18 =	smov.u32 s17;
	s17 =	sadd.s32 $0x500, s17;
	_ =	swait.ge [sflag:s12], $0x1400  }
0x25: {  	[sflag:s12] =	ssyncset.done $0x0  }
0x26: {  	s19 =	sadd.s32 s16, s7;
	s16 =	smov.u32 s18;
	[sflag:s12] =	ssyncadd.s32 $0xFFFFEC00  }
0x27: {  	[hbm4b:s19+s2] =	stream.linear.scatter [tilespmem:s10], [sflag:$0x3], $0x1400, $0x38;
	[tilespmem:$0x6800] =	vst v63  }
0x28: {  	_ =	swait.ge [sflag:s8], $0x1400  }
0x29: {  	[sflag:s8] =	ssyncset.done $0x0  }
0x2a: {  	[sflag:s8] =	ssyncadd.s32 $0xFFFFEC00  }
0x2b: {  	[tilespmem:s10], [sflag:$0x1] =	stream.indirect.gather [hbm4b:s3+s9], $0x80, s15, s9, $0xb8;
	[tilespmem:$0x6800] =	vst v63  }
0x2c: {  	_ =	swait.ge [sflag:s13], $0x1400  }
.Ltmp0:
0x2d: {  	[sflag:s13] =	ssyncset.done $0x0;
	(pc) =	sbr.rel @p0 .LBB2_2-.Ltmp0, $4  }
0x2e: {  	s18 =	sadd.s32 $0x280, s19;
	[sflag:s13] =	ssyncadd.s32 $0xFFFFEC00  }
0x2f: {  	[hbm4b:s18+s2] =	stream.linear.scatter [tilespmem:s11], [sflag:$0x3], $0x1400, $0x38;
	[tilespmem:$0x6800] =	vst v63  }
0x30: {  	_ =	swait.ge [sflag:s8], $0x1400  }
0x31: {  	s15 =	sadd.s32 $0x100, s15;
	[sflag:s8] =	ssyncset.done $0x0  }
0x32: {  	s17 =	sadd.s32 $0xFFFFFF80, s15;
	[sflag:s8] =	ssyncadd.s32 $0xFFFFEC00  }
0x33: {  	[tilespmem:s11], [sflag:$0x2] =	stream.indirect.gather [hbm4b:s3+s9], $0x80, s17, s9, $0xb8;
	[tilespmem:$0x6800] =	vst v63  }
0x34: {  	_ =	swait.ge [sflag:s12], $0x1400  }
0x35: {  	[sflag:s12] =	ssyncset.done $0x0  }
0x36: {  	s16 =	sadd.s32 s16, s7;
	[sflag:s12] =	ssyncadd.s32 $0xFFFFEC00  }
0x37: {  	[hbm4b:s16+s2] =	stream.linear.scatter [tilespmem:s10], [sflag:$0x3], $0x1400, $0x38;
	[tilespmem:$0x6800] =	vst v63  }
0x38: {  	_ =	swait.ge [sflag:s8], $0x1400  }
0x39: {  	[sflag:s8] =	ssyncset.done $0x0  }
0x3a: {  	[sflag:s8] =	ssyncadd.s32 $0xFFFFEC00  }
0x3b: {  	[tilespmem:s10], [sflag:$0x1] =	stream.indirect.gather [hbm4b:s3+s9], $0x80, s15, s9, $0xb8;
	[tilespmem:$0x6800] =	vst v63  }
0x3c: {  	_ =	swait.ge [sflag:s13], $0x1400  }
0x3d: {  	[sflag:s13] =	ssyncset.done $0x0  }
0x3e: {  	s31 =	sadd.s32 $0x280, s16;
	[sflag:s13] =	ssyncadd.s32 $0xFFFFEC00  }
0x3f: {  	[hbm4b:s31+s2] =	stream.linear.scatter [tilespmem:s11], [sflag:$0x3], $0x1400, $0x38;
	[tilespmem:$0x6800] =	vst v63  }
0x40: {  	_ =	swait.ge [sflag:s8], $0x1400  }
0x41: {  	[sflag:s8] =	ssyncset.done $0x0  }
0x42: {  	[sflag:s8] =	ssyncadd.s32 $0xFFFFEC00  }
0x43: {  	s14 =	sadd.s32 $0x1, s14;
	_ =	swait.ge [sflag:s12], $0x1400  }
0x44: {  	p0 =	sne.s32 s14, s6;
	[sflag:s12] =	ssyncset.done $0x0  }
.Ltmp1:
0x45: {  	[sflag:s12] =	ssyncadd.s32 $0xFFFFEC00;
	(pc) =	sbr.rel @p0 .LBB2_1-.Ltmp1, $4  }
0x46: {  	[hbm4b:s5+s2] =	stream.linear.scatter [tilespmem:s10], [sflag:$0x3], $0x1400, $0x38;
	[tilespmem:$0x6800] =	vst v63  }
0x47: {  	_ =	swait.ge [sflag:s8], $0x1400  }
0x48: {  	[sflag:s8] =	ssyncset.done $0x0  }
0x49: {  	[sflag:s8] =	ssyncadd.s32 $0xFFFFEC00  }
0x4a: {  	_ =	sfence.sel $0x180000  }
0x4b: {  	[bflag:$0x0] =	sbarrier.arrive $0xFFFF  }
0x4c: {  	p0 =	sne.s32 s1, $0x0;
	_ =	strace $0x9000004A  }
0x4d: {  	s0 =	sadd.s32 @!p0 $0x100000, s0;
	[bflag:$0x2] =	sbarrier.arrive $0xFFFF  }
0x4e: {  	[sflag:s0] =	ssyncadd.tile.s32 @!p0 $0x1;
	_ =	shalt  }
.Lfunc_end2:
_tile_overlayer_lowered:
.L_overlay_start_2:
0x4f: {  	(tag) =	ssettag $0x2  }
0x50: {  	s0 =	rddreg [dreg:$0x0];
	s2 =	stileid.u32  }
0x51: {  	s1 =	rddreg [dreg:$0x1];
	p0 =	sne.s32 s2, $0x0  }
0x52: {  	s3 =	rddreg [dreg:$0x2];
	[bflag:$0x3] =	sbarrier.arrive $0xFFFF;
	s2 =	simm.s32 @!p0 $0x1C03  }
0x53: {  	[timem:s3], [sflag:s2] =	dma.local @!p0 [hbm:s0], s1  }
0x54: {  	s0 =	simm.s32 @!p0 $0x3  }
0x55: {  	_ =	swait.ge @!p0 [sflag:s0], s1  }
0x56: {  	s1 =	ssub.s32 @!p0 $0x0, s1;
	[sflag:s0] =	ssyncset.done @!p0 $0x0  }
0x57: {  	[sflag:s0] =	ssyncadd.s32 @!p0 s1  }
0x58: {  	[bflag:$0x3] =	sbarrier.arrive $0xFFFF  }
0x59: {  	_ =	shalt  }

</sc_bundles>
